<compile_context>
chip_gen: v7x
topology: tpu7x:2x2x1
jax: 0.10.2.dev20260603
libtpu: 0.0.44.dev20260713+nightly
codegen_flags: <defaults>
</compile_context>

<pallas_src>
import functools
import math

import jax
import jax.numpy as jnp
from jax import lax
from jax.experimental import pallas as pl
from jax.experimental.pallas import tpu as pltpu
from jax.experimental.pallas import tpu_sc as plsc

N_NODES = 10000
N_EDGES = 160000
R_CUT = 5.0
N_RBF = 20

NC = 2
NS = 16
BATCH = 128
NB = 80
EPT = NB * BATCH
E_PAD = NS * EPT
NODES_PAD = 10112
ZROWS = NODES_PAD // NS

B_BLK = 1280
N_REAL_BLK = N_EDGES // B_BLK


def _norm_body(r_ref, o_ref):
    x = r_ref[...]
    o_ref[0, 0] = 1.0 / jnp.sqrt(jnp.sum(x * x))


def _dense_body(inv_ref, s_ref, r_ref, v_ref, w1_ref, b1_ref, w2_ref,
                b2_ref, wr_ref, br_ref, o_ref):
    s = s_ref[...]
    h = jnp.dot(s, w1_ref[...], preferred_element_type=jnp.float32)
    h = h + b1_ref[...]
    h = h * jax.nn.sigmoid(h)
    phi = jnp.dot(h, w2_ref[...], preferred_element_type=jnp.float32)
    phi = phi + b2_ref[...]

    rT = r_ref[...]
    rn_row = jnp.sqrt(jnp.sum(rT * rT, axis=0, keepdims=True))
    n_col = (lax.broadcasted_iota(jnp.int32, (N_RBF, 1), 0) + 1).astype(
        jnp.float32) * (math.pi / R_CUT)
    rbT = jnp.sin(n_col * rn_row) / rn_row
    rbT = jnp.where(rbT <= R_CUT,
                    0.5 * (jnp.cos(rbT * (math.pi / R_CUT)) + 1.0), 0.0)
    w = lax.dot_general(rbT, wr_ref[...], (((0,), (0,)), ((), ())),
                        preferred_element_type=jnp.float32)
    w = w + br_ref[...]

    r = jnp.transpose(rT, (1, 0))

    split = w * phi
    s0 = split[:, 0:128]
    s1 = split[:, 128:256]
    s2 = split[:, 256:384]
    inv = inv_ref[0, 0]
    for d in range(3):
        o_ref[d] = s0 * v_ref[d] + s2 * (r[:, d:d + 1] * inv)
    o_ref[3] = s1


def _scatter_body(msg_hbm, idx_hbm, zeros_hbm, outv_hbm, outs_hbm,
                  idx_v, buf0, buf1, acc, sem0, sem1):
    c = lax.axis_index("c")
    t = lax.axis_index("s")
    base = t * EPT

    pltpu.sync_copy(idx_hbm.at[t], idx_v)

    bufs = (buf0, buf1)
    sems = (sem0, sem1)

    for ci in range(2):
        chunk = c * 2 + ci
        pltpu.sync_copy(zeros_hbm, acc.at[pl.ds(t * ZROWS, ZROWS)])
        plsc.subcore_barrier()

        for h in range(2):
            pltpu.async_copy(
                msg_hbm.at[chunk].at[pl.ds(base + h * BATCH, BATCH)],
                bufs[h], sems[h])

        def body(j2, _):
            for h in range(2):
                j = j2 * 2 + h
                pltpu.make_async_copy(
                    msg_hbm.at[chunk].at[pl.ds(base, BATCH)],
                    bufs[h], sems[h]).wait()
                pltpu.sync_copy(bufs[h], acc.at[idx_v.at[j]], add=True)
                jn = lax.min(j + 2, NB - 1)
                pltpu.async_copy(
                    msg_hbm.at[chunk].at[pl.ds(base + jn * BATCH, BATCH)],
                    bufs[h], sems[h])
            return 0

        lax.fori_loop(0, NB // 2, body, 0)
        for h in range(2):
            pltpu.make_async_copy(
                msg_hbm.at[chunk].at[pl.ds(base, BATCH)],
                bufs[h], sems[h]).wait()
        plsc.subcore_barrier()

        start = lax.min(t * ZROWS, N_NODES - ZROWS)

        @pl.when(chunk < 3)
        def _():
            pltpu.sync_copy(acc.at[pl.ds(start, ZROWS)],
                            outv_hbm.at[chunk].at[pl.ds(start, ZROWS)])

        @pl.when(chunk == 3)
        def _():
            pltpu.sync_copy(acc.at[pl.ds(start, ZROWS)],
                            outs_hbm.at[pl.ds(start, ZROWS)])

        plsc.subcore_barrier()


@functools.lru_cache(maxsize=1)
def _get_scatter_call():
  return functools.partial(
    pl.kernel,
    out_type=[
        jax.ShapeDtypeStruct((3, N_NODES, 128), jnp.float32),
        jax.ShapeDtypeStruct((N_NODES, 128), jnp.float32),
    ],
    mesh=plsc.VectorSubcoreMesh(
        core_axis_name="c", subcore_axis_name="s", num_cores=NC,
        num_subcores=NS),
    scratch_types=[
        pltpu.VMEM((NB, BATCH), jnp.int32),
        pltpu.VMEM((BATCH, 128), jnp.float32),
        pltpu.VMEM((BATCH, 128), jnp.float32),
        pltpu.VMEM_SHARED((NODES_PAD, 128), jnp.float32),
        pltpu.SemaphoreType.DMA,
        pltpu.SemaphoreType.DMA,
    ],
    compiler_params=pltpu.CompilerParams(use_tc_tiling_on_sc=True),
  )(_scatter_body)


@jax.jit
def kernel(s, r, v, idx_i, W1, b1, W2, b2, Wr, br):
    E = N_EDGES
    s2d = s.reshape(E, 128)
    vT = v.transpose(1, 0, 2)
    rT = r.transpose(1, 0)
    r2d = rT.reshape(-1, 128)

    inv = pl.pallas_call(
        _norm_body,
        out_shape=jax.ShapeDtypeStruct((1, 1), jnp.float32),
        in_specs=[pl.BlockSpec((r2d.shape[0], 128), lambda: (0, 0))],
        out_specs=pl.BlockSpec(memory_space=pltpu.SMEM),
    )(r2d)

    grid = (E_PAD // B_BLK,)
    msg = pl.pallas_call(
        _dense_body,
        grid=grid,
        in_specs=[
            pl.BlockSpec(memory_space=pltpu.SMEM),
            pl.BlockSpec((B_BLK, 128),
                         lambda i: (jnp.minimum(i, N_REAL_BLK - 1), 0)),
            pl.BlockSpec((3, B_BLK),
                         lambda i: (0, jnp.minimum(i, N_REAL_BLK - 1))),
            pl.BlockSpec((3, B_BLK, 128),
                         lambda i: (0, jnp.minimum(i, N_REAL_BLK - 1), 0)),
            pl.BlockSpec((128, 128), lambda i: (0, 0)),
            pl.BlockSpec((1, 128), lambda i: (0, 0)),
            pl.BlockSpec((128, 384), lambda i: (0, 0)),
            pl.BlockSpec((1, 384), lambda i: (0, 0)),
            pl.BlockSpec((N_RBF, 384), lambda i: (0, 0)),
            pl.BlockSpec((1, 384), lambda i: (0, 0)),
        ],
        out_specs=pl.BlockSpec((4, B_BLK, 128), lambda i: (0, i, 0)),
        out_shape=jax.ShapeDtypeStruct((4, E_PAD, 128), jnp.float32),
        compiler_params=pltpu.CompilerParams(
            dimension_semantics=("arbitrary",)),
    )(inv, s2d, rT, vT, W1, b1.reshape(1, 128), W2,
      b2.reshape(1, 384), Wr, br.reshape(1, 384))

    idx_pad = jnp.concatenate(
        [idx_i, jnp.full((E_PAD - E,), N_NODES, dtype=jnp.int32)]
    ).reshape(NS, NB, BATCH)
    zeros = jnp.zeros((ZROWS, 128), jnp.float32)

    out_v3, out_s2 = _get_scatter_call()(msg, idx_pad, zeros)
    return (out_v3.transpose(1, 0, 2), out_s2.reshape(N_NODES, 1, 128))

# --- scband reference (transcript-rebuilt; emitter-appended) ---
"""Pipeline reference for scband-message-13082470383778 (READ-ONLY COPY).

The authoritative reference and input builder live on the scoring server;
editing this copy changes nothing except your own understanding.
"""

import jax, jax.numpy as jnp
import numpy as np

N_NODES = 10000
N_EDGES = 160000
R_CUT = 5.0
N_RBF = 20

def setup_inputs(seed: int = 0):
    key = jax.random.key(seed)
    ks = jax.random.split(key, 8)
    s = jax.random.normal(ks[0], (N_EDGES, 1, 128), dtype=jnp.float32)
    r = jax.random.uniform(ks[1], (N_EDGES, 3), dtype=jnp.float32)
    v = jax.random.normal(ks[2], (N_EDGES, 3, 128), dtype=jnp.float32)
    idx_i = jax.random.randint(ks[3], (N_EDGES,), 0, N_NODES, dtype=jnp.int32)
    W1 = jax.random.normal(ks[4], (128, 128), dtype=jnp.float32) / np.sqrt(128.0)
    b1 = jnp.zeros((128,), dtype=jnp.float32)
    W2 = jax.random.normal(ks[5], (128, 384), dtype=jnp.float32) / np.sqrt(128.0)
    b2 = jnp.zeros((384,), dtype=jnp.float32)
    Wr = jax.random.normal(ks[6], (N_RBF, 384), dtype=jnp.float32) / np.sqrt(float(N_RBF))
    br = jnp.zeros((384,), dtype=jnp.float32)
    return {"s": s, "r": r, "v": v, "idx_i": idx_i, "W1": W1, "b1": b1, "W2": W2, "b2": b2, "Wr": Wr, "br": br}

def _rbf(r, n, r_cut):
    n_values = jnp.arange(1, n + 1, dtype=jnp.float32)
    r_norms = jnp.linalg.norm(r, axis=1, keepdims=True)
    r_norms = r_norms[:, :, None]
    return jnp.sin(n_values * jnp.pi / r_cut * r_norms) / r_norms

def _fcut(t, r_c):
    return jnp.where(t <= r_c, 0.5 * (jnp.cos(jnp.pi * t / r_c) + 1.0), jnp.zeros_like(t))

def reference(s, r, v, idx_i, W1, b1, W2, b2, Wr, br):
    phi = jax.nn.silu(s @ W1 + b1) @ W2 + b2
    org_r = jax.lax.stop_gradient(r)
    rb = _rbf(r, N_RBF, R_CUT)
    rb = _fcut(rb, R_CUT)
    w = rb @ Wr + br
    split = w * phi
    s0 = split[:, :, 0:128]
    s1 = split[:, :, 128:256]
    s2 = split[:, :, 256:384]
    out_s = jnp.zeros((N_NODES, 1, 128), dtype=jnp.float32).at[idx_i].add(s1)
    org_rn = org_r / jnp.linalg.norm(org_r)
    org_m = s2 * org_rn[:, :, None]
    vv = s0 * v
    vv = org_m + vv
    out_v = jnp.zeros((N_NODES, 3, 128), dtype=jnp.float32).at[idx_i].add(vv)
    return (out_v, out_s)

if __name__ == "__main__":
    import jax
    _d = setup_inputs()
    print(jax.jit(kernel)(*tuple(_d.values())))

</pallas_src>

<mosaic_0001>
#map = affine_map<(d0, d1) -> (0, 0, 0)>
#map1 = affine_map<(d0, d1) -> (0, 0)>
module attributes {stable_mosaic.version = 14 : i64} {
  func.func @_scatter_body(%arg0: i32, %arg1: i32, %arg2: memref<4x163840x128xf32, #tpu.memory_space<hbm>>, %arg3: memref<16x80x128xi32, #tpu.memory_space<hbm>>, %arg4: memref<632x128xf32, #tpu.memory_space<hbm>>, %arg5: memref<3x10000x128xf32, #tpu.memory_space<hbm>>, %arg6: memref<10000x128xf32, #tpu.memory_space<hbm>>, %arg7: memref<80x128xi32, #tpu.memory_space<vmem>>, %arg8: memref<128x128xf32, #tpu.memory_space<vmem>>, %arg9: memref<128x128xf32, #tpu.memory_space<vmem>>, %arg10: memref<10112x128xf32, #tpu.memory_space<vmem_shared>>, %arg11: memref<!tpu.dma_semaphore, #tpu.memory_space<semaphore_mem>>, %arg12: memref<!tpu.dma_semaphore, #tpu.memory_space<semaphore_mem>>) attributes {dimension_semantics = [#tpu.dimension_semantics<core_parallel>, #tpu.dimension_semantics<subcore_parallel>], iteration_bounds = array<i64: 2, 16>, scalar_prefetch = 0 : i64, scratch_operands = 6 : i64, tpu.core_type = #tpu.core_type<sc_vector_subcore>, window_params = [{transform_indices = #map}, {transform_indices = #map}, {transform_indices = #map1}, {transform_indices = #map}, {transform_indices = #map1}]} {
    %mul3A = arith.constant 10240 : i32
    %mul3A_0 = arith.muli %arg1, %mul3A : i32
    "tpu.region"() ({
      %run_scoped3A = tpu.sem_alloc : memref<!tpu.dma_semaphore, #tpu.memory_space<semaphore_mem>>
      %dma_start3A_155 = arith.constant 0 : i32
      %dma_start3A_156 = arith.constant 0 : i32
      %dma_start3A_157 = tpu.memref_slice %arg3[%arg1, %dma_start3A_155, %dma_start3A_156] : memref<16x80x128xi32, #tpu.memory_space<hbm>> -> memref<1x80x128xi32, #tpu.memory_space<hbm>>
      %dma_start3A_158 = tpu.memref_squeeze %dma_start3A_157 : memref<1x80x128xi32, #tpu.memory_space<hbm>> -> memref<80x128xi32, #tpu.memory_space<hbm>>
      %dma_start3A_159 = arith.constant 0 : i32
      %dma_start3A_160 = arith.constant 0 : i32
      %dma_start3A_161 = tpu.memref_slice %arg3[%arg1, %dma_start3A_159, %dma_start3A_160] : memref<16x80x128xi32, #tpu.memory_space<hbm>> -> memref<1x80x128xi32, #tpu.memory_space<hbm>>
      %dma_start3A_162 = tpu.memref_squeeze %dma_start3A_161 : memref<1x80x128xi32, #tpu.memory_space<hbm>> -> memref<80x128xi32, #tpu.memory_space<hbm>>
      tpu.enqueue_dma source(%dma_start3A_162 : memref<80x128xi32, #tpu.memory_space<hbm>>) target(%arg7 : memref<80x128xi32, #tpu.memory_space<vmem>>) target_semaphore(%run_scoped3A : memref<!tpu.dma_semaphore, #tpu.memory_space<semaphore_mem>>)
      %dma_wait3A_163 = arith.constant 0 : i32
      %dma_wait3A_164 = arith.constant 0 : i32
      %dma_wait3A_165 = tpu.memref_slice %arg3[%arg1, %dma_wait3A_163, %dma_wait3A_164] : memref<16x80x128xi32, #tpu.memory_space<hbm>> -> memref<1x80x128xi32, #tpu.memory_space<hbm>>
      %dma_wait3A_166 = tpu.memref_squeeze %dma_wait3A_165 : memref<1x80x128xi32, #tpu.memory_space<hbm>> -> memref<80x128xi32, #tpu.memory_space<hbm>>
      %dma_wait3A_167 = arith.constant 0 : i32
      %dma_wait3A_168 = arith.constant 0 : i32
      %dma_wait3A_169 = tpu.memref_slice %arg3[%arg1, %dma_wait3A_167, %dma_wait3A_168] : memref<16x80x128xi32, #tpu.memory_space<hbm>> -> memref<1x80x128xi32, #tpu.memory_space<hbm>>
      %dma_wait3A_170 = tpu.memref_squeeze %dma_wait3A_169 : memref<1x80x128xi32, #tpu.memory_space<hbm>> -> memref<80x128xi32, #tpu.memory_space<hbm>>
      tpu.wait_dma2 semaphore(%run_scoped3A : memref<!tpu.dma_semaphore, #tpu.memory_space<semaphore_mem>>) src(%dma_wait3A_170 : memref<80x128xi32, #tpu.memory_space<hbm>>) dst(%arg7 : memref<80x128xi32, #tpu.memory_space<vmem>>)
      tpu.yield
    }) : () -> ()
    %mul3A_1 = arith.constant 2 : i32
    %mul3A_2 = arith.muli %arg0, %mul3A_1 : i32
    %add3A = arith.constant 0 : i32
    %add3A_3 = arith.addi %mul3A_2, %add3A : i32
    %mul3A_4 = arith.constant 632 : i32
    %mul3A_5 = arith.muli %arg1, %mul3A_4 : i32
    "tpu.region"() ({
      %run_scoped3A = tpu.sem_alloc : memref<!tpu.dma_semaphore, #tpu.memory_space<semaphore_mem>>
      %dma_start3A_155 = arith.constant 0 : i32
      %dma_start3A_156 = tpu.memref_slice %arg10[%mul3A_5, %dma_start3A_155] : memref<10112x128xf32, #tpu.memory_space<vmem_shared>> -> memref<632x128xf32, #tpu.memory_space<vmem_shared>>
      tpu.enqueue_dma source(%arg4 : memref<632x128xf32, #tpu.memory_space<hbm>>) target(%dma_start3A_156 : memref<632x128xf32, #tpu.memory_space<vmem_shared>>) target_semaphore(%run_scoped3A : memref<!tpu.dma_semaphore, #tpu.memory_space<semaphore_mem>>)
      %dma_wait3A_157 = arith.constant 0 : i32
      %dma_wait3A_158 = tpu.memref_slice %arg10[%mul3A_5, %dma_wait3A_157] : memref<10112x128xf32, #tpu.memory_space<vmem_shared>> -> memref<632x128xf32, #tpu.memory_space<vmem_shared>>
      tpu.wait_dma2 semaphore(%run_scoped3A : memref<!tpu.dma_semaphore, #tpu.memory_space<semaphore_mem>>) src(%arg4 : memref<632x128xf32, #tpu.memory_space<hbm>>) dst(%dma_wait3A_158 : memref<632x128xf32, #tpu.memory_space<vmem_shared>>)
      tpu.yield
    }) : () -> ()
    %barrier3A = arith.constant 0 : index
    tpu.barrier barrier_id(%barrier3A)
    %add3A_6 = arith.constant 0 : i32
    %add3A_7 = arith.addi %mul3A_0, %add3A_6 : i32
    %dma_start3A = arith.constant 0 : i32
    %dma_start3A_8 = arith.constant 0 : i32
    %dma_start3A_9 = tpu.memref_slice %arg2[%add3A_3, %dma_start3A, %dma_start3A_8] : memref<4x163840x128xf32, #tpu.memory_space<hbm>> -> memref<1x163840x128xf32, #tpu.memory_space<hbm>>
    %dma_start3A_10 = tpu.memref_squeeze %dma_start3A_9 : memref<1x163840x128xf32, #tpu.memory_space<hbm>> -> memref<163840x128xf32, #tpu.memory_space<hbm>>
    %dma_start3A_11 = arith.constant 0 : i32
    %dma_start3A_12 = tpu.memref_slice %dma_start3A_10[%add3A_7, %dma_start3A_11] : memref<163840x128xf32, #tpu.memory_space<hbm>> -> memref<128x128xf32, #tpu.memory_space<hbm>>
    %dma_start3A_13 = arith.constant 0 : i32
    %dma_start3A_14 = arith.constant 0 : i32
    %dma_start3A_15 = tpu.memref_slice %arg2[%add3A_3, %dma_start3A_13, %dma_start3A_14] : memref<4x163840x128xf32, #tpu.memory_space<hbm>> -> memref<1x163840x128xf32, #tpu.memory_space<hbm>>
    %dma_start3A_16 = tpu.memref_squeeze %dma_start3A_15 : memref<1x163840x128xf32, #tpu.memory_space<hbm>> -> memref<163840x128xf32, #tpu.memory_space<hbm>>
    %dma_start3A_17 = arith.constant 0 : i32
    %dma_start3A_18 = tpu.memref_slice %dma_start3A_16[%add3A_7, %dma_start3A_17] : memref<163840x128xf32, #tpu.memory_space<hbm>> -> memref<128x128xf32, #tpu.memory_space<hbm>>
    tpu.enqueue_dma source(%dma_start3A_18 : memref<128x128xf32, #tpu.memory_space<hbm>>) target(%arg8 : memref<128x128xf32, #tpu.memory_space<vmem>>) target_semaphore(%arg11 : memref<!tpu.dma_semaphore, #tpu.memory_space<semaphore_mem>>)
    %add3A_19 = arith.constant 128 : i32
    %add3A_20 = arith.addi %mul3A_0, %add3A_19 : i32
    %dma_start3A_21 = arith.constant 0 : i32
    %dma_start3A_22 = arith.constant 0 : i32
    %dma_start3A_23 = tpu.memref_slice %arg2[%add3A_3, %dma_start3A_21, %dma_start3A_22] : memref<4x163840x128xf32, #tpu.memory_space<hbm>> -> memref<1x163840x128xf32, #tpu.memory_space<hbm>>
    %dma_start3A_24 = tpu.memref_squeeze %dma_start3A_23 : memref<1x163840x128xf32, #tpu.memory_space<hbm>> -> memref<163840x128xf32, #tpu.memory_space<hbm>>
    %dma_start3A_25 = arith.constant 0 : i32
    %dma_start3A_26 = tpu.memref_slice %dma_start3A_24[%add3A_20, %dma_start3A_25] : memref<163840x128xf32, #tpu.memory_space<hbm>> -> memref<128x128xf32, #tpu.memory_space<hbm>>
    %dma_start3A_27 = arith.constant 0 : i32
    %dma_start3A_28 = arith.constant 0 : i32
    %dma_start3A_29 = tpu.memref_slice %arg2[%add3A_3, %dma_start3A_27, %dma_start3A_28] : memref<4x163840x128xf32, #tpu.memory_space<hbm>> -> memref<1x163840x128xf32, #tpu.memory_space<hbm>>
    %dma_start3A_30 = tpu.memref_squeeze %dma_start3A_29 : memref<1x163840x128xf32, #tpu.memory_space<hbm>> -> memref<163840x128xf32, #tpu.memory_space<hbm>>
    %dma_start3A_31 = arith.constant 0 : i32
    %dma_start3A_32 = tpu.memref_slice %dma_start3A_30[%add3A_20, %dma_start3A_31] : memref<163840x128xf32, #tpu.memory_space<hbm>> -> memref<128x128xf32, #tpu.memory_space<hbm>>
    tpu.enqueue_dma source(%dma_start3A_32 : memref<128x128xf32, #tpu.memory_space<hbm>>) target(%arg9 : memref<128x128xf32, #tpu.memory_space<vmem>>) target_semaphore(%arg12 : memref<!tpu.dma_semaphore, #tpu.memory_space<semaphore_mem>>)
    %scan3A = arith.constant 0 : i32
    %scan3A_33 = arith.constant 0 : i32
    %scan3A_34 = arith.constant 40 : i32
    %scan3A_35 = arith.addi %scan3A_33, %scan3A_34 : i32
    %scan3A_36 = arith.constant 1 : i32
    %scan3A_37 = scf.for %scan3A_155 = %scan3A_33 to %scan3A_35 step %scan3A_36 iter_args(%scan3A_156 = %scan3A) -> (i32)  : i32 {
      %mul3A_157 = arith.constant 2 : i32
      %mul3A_158 = arith.muli %scan3A_155, %mul3A_157 : i32
      %add3A_159 = arith.constant 0 : i32
      %add3A_160 = arith.addi %mul3A_158, %add3A_159 : i32
      %dma_wait3A_161 = arith.constant 0 : i32
      %dma_wait3A_162 = arith.constant 0 : i32
      %dma_wait3A_163 = tpu.memref_slice %arg2[%add3A_3, %dma_wait3A_161, %dma_wait3A_162] : memref<4x163840x128xf32, #tpu.memory_space<hbm>> -> memref<1x163840x128xf32, #tpu.memory_space<hbm>>
      %dma_wait3A_164 = tpu.memref_squeeze %dma_wait3A_163 : memref<1x163840x128xf32, #tpu.memory_space<hbm>> -> memref<163840x128xf32, #tpu.memory_space<hbm>>
      %dma_wait3A_165 = arith.constant 0 : i32
      %dma_wait3A_166 = tpu.memref_slice %dma_wait3A_164[%mul3A_0, %dma_wait3A_165] : memref<163840x128xf32, #tpu.memory_space<hbm>> -> memref<128x128xf32, #tpu.memory_space<hbm>>
      %dma_wait3A_167 = arith.constant 0 : i32
      %dma_wait3A_168 = arith.constant 0 : i32
      %dma_wait3A_169 = tpu.memref_slice %arg2[%add3A_3, %dma_wait3A_167, %dma_wait3A_168] : memref<4x163840x128xf32, #tpu.memory_space<hbm>> -> memref<1x163840x128xf32, #tpu.memory_space<hbm>>
      %dma_wait3A_170 = tpu.memref_squeeze %dma_wait3A_169 : memref<1x163840x128xf32, #tpu.memory_space<hbm>> -> memref<163840x128xf32, #tpu.memory_space<hbm>>
      %dma_wait3A_171 = arith.constant 0 : i32
      %dma_wait3A_172 = tpu.memref_slice %dma_wait3A_170[%mul3A_0, %dma_wait3A_171] : memref<163840x128xf32, #tpu.memory_space<hbm>> -> memref<128x128xf32, #tpu.memory_space<hbm>>
      tpu.wait_dma2 semaphore(%arg11 : memref<!tpu.dma_semaphore, #tpu.memory_space<semaphore_mem>>) src(%dma_wait3A_172 : memref<128x128xf32, #tpu.memory_space<hbm>>) dst(%arg8 : memref<128x128xf32, #tpu.memory_space<vmem>>)
      "tpu.region"() ({
        %run_scoped3A = tpu.sem_alloc : memref<!tpu.dma_semaphore, #tpu.memory_space<semaphore_mem>>
        %dma_start3A_228 = arith.constant 0 : i32
        %dma_start3A_229 = tpu.memref_slice %arg7[%add3A_160, %dma_start3A_228] : memref<80x128xi32, #tpu.memory_space<vmem>> -> memref<1x128xi32, #tpu.memory_space<vmem>>
        %dma_start3A_230 = tpu.memref_squeeze %dma_start3A_229 : memref<1x128xi32, #tpu.memory_space<vmem>> -> memref<128xi32, #tpu.memory_space<vmem>>
        %dma_start3A_231 = arith.constant 0 : i32
        %dma_start3A_232 = arith.constant 0 : i32
        %dma_start3A_233 = tpu.memref_slice %arg10[%dma_start3A_231, %dma_start3A_232] : memref<10112x128xf32, #tpu.memory_space<vmem_shared>> -> memref<10112x128xf32, #tpu.memory_space<vmem_shared>>
        tpu.enqueue_indirect_dma source(%arg8 : memref<128x128xf32, #tpu.memory_space<vmem>>) target(%dma_start3A_233 : memref<10112x128xf32, #tpu.memory_space<vmem_shared>>) offsets(%dma_start3A_230 : memref<128xi32, #tpu.memory_space<vmem>>) semaphore(%run_scoped3A : memref<!tpu.dma_semaphore, #tpu.memory_space<semaphore_mem>>) {add = true}
        %dma_wait3A_234 = arith.constant 0 : i32
        %dma_wait3A_235 = tpu.memref_slice %arg7[%add3A_160, %dma_wait3A_234] : memref<80x128xi32, #tpu.memory_space<vmem>> -> memref<1x128xi32, #tpu.memory_space<vmem>>
        %dma_wait3A_236 = tpu.memref_squeeze %dma_wait3A_235 : memref<1x128xi32, #tpu.memory_space<vmem>> -> memref<128xi32, #tpu.memory_space<vmem>>
        %dma_wait3A_237 = arith.constant 0 : i32
        %dma_wait3A_238 = arith.constant 0 : i32
        %dma_wait3A_239 = tpu.memref_slice %arg10[%dma_wait3A_237, %dma_wait3A_238] : memref<10112x128xf32, #tpu.memory_space<vmem_shared>> -> memref<10112x128xf32, #tpu.memory_space<vmem_shared>>
        tpu.wait_indirect_dma semaphore(%run_scoped3A : memref<!tpu.dma_semaphore, #tpu.memory_space<semaphore_mem>>) src(%arg8 : memref<128x128xf32, #tpu.memory_space<vmem>>) dst(%dma_wait3A_239 : memref<10112x128xf32, #tpu.memory_space<vmem_shared>>)
        tpu.yield
      }) : () -> ()
      %add3A_173 = arith.constant 2 : i32
      %add3A_174 = arith.addi %add3A_160, %add3A_173 : i32
      %min3A_175 = arith.constant 79 : i32
      %min3A_176 = arith.minsi %add3A_174, %min3A_175 : i32
      %mul3A_177 = arith.constant 128 : i32
      %mul3A_178 = arith.muli %min3A_176, %mul3A_177 : i32
      %add3A_179 = arith.addi %mul3A_0, %mul3A_178 : i32
      %dma_start3A_180 = arith.constant 0 : i32
      %dma_start3A_181 = arith.constant 0 : i32
      %dma_start3A_182 = tpu.memref_slice %arg2[%add3A_3, %dma_start3A_180, %dma_start3A_181] : memref<4x163840x128xf32, #tpu.memory_space<hbm>> -> memref<1x163840x128xf32, #tpu.memory_space<hbm>>
      %dma_start3A_183 = tpu.memref_squeeze %dma_start3A_182 : memref<1x163840x128xf32, #tpu.memory_space<hbm>> -> memref<163840x128xf32, #tpu.memory_space<hbm>>
      %dma_start3A_184 = arith.constant 0 : i32
      %dma_start3A_185 = tpu.memref_slice %dma_start3A_183[%add3A_179, %dma_start3A_184] : memref<163840x128xf32, #tpu.memory_space<hbm>> -> memref<128x128xf32, #tpu.memory_space<hbm>>
      %dma_start3A_186 = arith.constant 0 : i32
      %dma_start3A_187 = arith.constant 0 : i32
      %dma_start3A_188 = tpu.memref_slice %arg2[%add3A_3, %dma_start3A_186, %dma_start3A_187] : memref<4x163840x128xf32, #tpu.memory_space<hbm>> -> memref<1x163840x128xf32, #tpu.memory_space<hbm>>
      %dma_start3A_189 = tpu.memref_squeeze %dma_start3A_188 : memref<1x163840x128xf32, #tpu.memory_space<hbm>> -> memref<163840x128xf32, #tpu.memory_space<hbm>>
      %dma_start3A_190 = arith.constant 0 : i32
      %dma_start3A_191 = tpu.memref_slice %dma_start3A_189[%add3A_179, %dma_start3A_190] : memref<163840x128xf32, #tpu.memory_space<hbm>> -> memref<128x128xf32, #tpu.memory_space<hbm>>
      tpu.enqueue_dma source(%dma_start3A_191 : memref<128x128xf32, #tpu.memory_space<hbm>>) target(%arg8 : memref<128x128xf32, #tpu.memory_space<vmem>>) target_semaphore(%arg11 : memref<!tpu.dma_semaphore, #tpu.memory_space<semaphore_mem>>)
      %mul3A_192 = arith.constant 2 : i32
      %mul3A_193 = arith.muli %scan3A_155, %mul3A_192 : i32
      %add3A_194 = arith.constant 1 : i32
      %add3A_195 = arith.addi %mul3A_193, %add3A_194 : i32
      %dma_wait3A_196 = arith.constant 0 : i32
      %dma_wait3A_197 = arith.constant 0 : i32
      %dma_wait3A_198 = tpu.memref_slice %arg2[%add3A_3, %dma_wait3A_196, %dma_wait3A_197] : memref<4x163840x128xf32, #tpu.memory_space<hbm>> -> memref<1x163840x128xf32, #tpu.memory_space<hbm>>
      %dma_wait3A_199 = tpu.memref_squeeze %dma_wait3A_198 : memref<1x163840x128xf32, #tpu.memory_space<hbm>> -> memref<163840x128xf32, #tpu.memory_space<hbm>>
      %dma_wait3A_200 = arith.constant 0 : i32
      %dma_wait3A_201 = tpu.memref_slice %dma_wait3A_199[%mul3A_0, %dma_wait3A_200] : memref<163840x128xf32, #tpu.memory_space<hbm>> -> memref<128x128xf32, #tpu.memory_space<hbm>>
      %dma_wait3A_202 = arith.constant 0 : i32
      %dma_wait3A_203 = arith.constant 0 : i32
      %dma_wait3A_204 = tpu.memref_slice %arg2[%add3A_3, %dma_wait3A_202, %dma_wait3A_203] : memref<4x163840x128xf32, #tpu.memory_space<hbm>> -> memref<1x163840x128xf32, #tpu.memory_space<hbm>>
      %dma_wait3A_205 = tpu.memref_squeeze %dma_wait3A_204 : memref<1x163840x128xf32, #tpu.memory_space<hbm>> -> memref<163840x128xf32, #tpu.memory_space<hbm>>
      %dma_wait3A_206 = arith.constant 0 : i32
      %dma_wait3A_207 = tpu.memref_slice %dma_wait3A_205[%mul3A_0, %dma_wait3A_206] : memref<163840x128xf32, #tpu.memory_space<hbm>> -> memref<128x128xf32, #tpu.memory_space<hbm>>
      tpu.wait_dma2 semaphore(%arg12 : memref<!tpu.dma_semaphore, #tpu.memory_space<semaphore_mem>>) src(%dma_wait3A_207 : memref<128x128xf32, #tpu.memory_space<hbm>>) dst(%arg9 : memref<128x128xf32, #tpu.memory_space<vmem>>)
      "tpu.region"() ({
        %run_scoped3A = tpu.sem_alloc : memref<!tpu.dma_semaphore, #tpu.memory_space<semaphore_mem>>
        %dma_start3A_228 = arith.constant 0 : i32
        %dma_start3A_229 = tpu.memref_slice %arg7[%add3A_195, %dma_start3A_228] : memref<80x128xi32, #tpu.memory_space<vmem>> -> memref<1x128xi32, #tpu.memory_space<vmem>>
        %dma_start3A_230 = tpu.memref_squeeze %dma_start3A_229 : memref<1x128xi32, #tpu.memory_space<vmem>> -> memref<128xi32, #tpu.memory_space<vmem>>
        %dma_start3A_231 = arith.constant 0 : i32
        %dma_start3A_232 = arith.constant 0 : i32
        %dma_start3A_233 = tpu.memref_slice %arg10[%dma_start3A_231, %dma_start3A_232] : memref<10112x128xf32, #tpu.memory_space<vmem_shared>> -> memref<10112x128xf32, #tpu.memory_space<vmem_shared>>
        tpu.enqueue_indirect_dma source(%arg9 : memref<128x128xf32, #tpu.memory_space<vmem>>) target(%dma_start3A_233 : memref<10112x128xf32, #tpu.memory_space<vmem_shared>>) offsets(%dma_start3A_230 : memref<128xi32, #tpu.memory_space<vmem>>) semaphore(%run_scoped3A : memref<!tpu.dma_semaphore, #tpu.memory_space<semaphore_mem>>) {add = true}
        %dma_wait3A_234 = arith.constant 0 : i32
        %dma_wait3A_235 = tpu.memref_slice %arg7[%add3A_195, %dma_wait3A_234] : memref<80x128xi32, #tpu.memory_space<vmem>> -> memref<1x128xi32, #tpu.memory_space<vmem>>
        %dma_wait3A_236 = tpu.memref_squeeze %dma_wait3A_235 : memref<1x128xi32, #tpu.memory_space<vmem>> -> memref<128xi32, #tpu.memory_space<vmem>>
        %dma_wait3A_237 = arith.constant 0 : i32
        %dma_wait3A_238 = arith.constant 0 : i32
        %dma_wait3A_239 = tpu.memref_slice %arg10[%dma_wait3A_237, %dma_wait3A_238] : memref<10112x128xf32, #tpu.memory_space<vmem_shared>> -> memref<10112x128xf32, #tpu.memory_space<vmem_shared>>
        tpu.wait_indirect_dma semaphore(%run_scoped3A : memref<!tpu.dma_semaphore, #tpu.memory_space<semaphore_mem>>) src(%arg9 : memref<128x128xf32, #tpu.memory_space<vmem>>) dst(%dma_wait3A_239 : memref<10112x128xf32, #tpu.memory_space<vmem_shared>>)
        tpu.yield
      }) : () -> ()
      %add3A_208 = arith.constant 2 : i32
      %add3A_209 = arith.addi %add3A_195, %add3A_208 : i32
      %min3A_210 = arith.constant 79 : i32
      %min3A_211 = arith.minsi %add3A_209, %min3A_210 : i32
      %mul3A_212 = arith.constant 128 : i32
      %mul3A_213 = arith.muli %min3A_211, %mul3A_212 : i32
      %add3A_214 = arith.addi %mul3A_0, %mul3A_213 : i32
      %dma_start3A_215 = arith.constant 0 : i32
      %dma_start3A_216 = arith.constant 0 : i32
      %dma_start3A_217 = tpu.memref_slice %arg2[%add3A_3, %dma_start3A_215, %dma_start3A_216] : memref<4x163840x128xf32, #tpu.memory_space<hbm>> -> memref<1x163840x128xf32, #tpu.memory_space<hbm>>
      %dma_start3A_218 = tpu.memref_squeeze %dma_start3A_217 : memref<1x163840x128xf32, #tpu.memory_space<hbm>> -> memref<163840x128xf32, #tpu.memory_space<hbm>>
      %dma_start3A_219 = arith.constant 0 : i32
      %dma_start3A_220 = tpu.memref_slice %dma_start3A_218[%add3A_214, %dma_start3A_219] : memref<163840x128xf32, #tpu.memory_space<hbm>> -> memref<128x128xf32, #tpu.memory_space<hbm>>
      %dma_start3A_221 = arith.constant 0 : i32
      %dma_start3A_222 = arith.constant 0 : i32
      %dma_start3A_223 = tpu.memref_slice %arg2[%add3A_3, %dma_start3A_221, %dma_start3A_222] : memref<4x163840x128xf32, #tpu.memory_space<hbm>> -> memref<1x163840x128xf32, #tpu.memory_space<hbm>>
      %dma_start3A_224 = tpu.memref_squeeze %dma_start3A_223 : memref<1x163840x128xf32, #tpu.memory_space<hbm>> -> memref<163840x128xf32, #tpu.memory_space<hbm>>
      %dma_start3A_225 = arith.constant 0 : i32
      %dma_start3A_226 = tpu.memref_slice %dma_start3A_224[%add3A_214, %dma_start3A_225] : memref<163840x128xf32, #tpu.memory_space<hbm>> -> memref<128x128xf32, #tpu.memory_space<hbm>>
      tpu.enqueue_dma source(%dma_start3A_226 : memref<128x128xf32, #tpu.memory_space<hbm>>) target(%arg9 : memref<128x128xf32, #tpu.memory_space<vmem>>) target_semaphore(%arg12 : memref<!tpu.dma_semaphore, #tpu.memory_space<semaphore_mem>>)
      %scan3A_227 = arith.constant 0 : i32
      scf.yield %scan3A_227 : i32
    }
    %scan3A_38 = arith.constant 40 : i32
    %dma_wait3A = arith.constant 0 : i32
    %dma_wait3A_39 = arith.constant 0 : i32
    %dma_wait3A_40 = tpu.memref_slice %arg2[%add3A_3, %dma_wait3A, %dma_wait3A_39] : memref<4x163840x128xf32, #tpu.memory_space<hbm>> -> memref<1x163840x128xf32, #tpu.memory_space<hbm>>
    %dma_wait3A_41 = tpu.memref_squeeze %dma_wait3A_40 : memref<1x163840x128xf32, #tpu.memory_space<hbm>> -> memref<163840x128xf32, #tpu.memory_space<hbm>>
    %dma_wait3A_42 = arith.constant 0 : i32
    %dma_wait3A_43 = tpu.memref_slice %dma_wait3A_41[%mul3A_0, %dma_wait3A_42] : memref<163840x128xf32, #tpu.memory_space<hbm>> -> memref<128x128xf32, #tpu.memory_space<hbm>>
    %dma_wait3A_44 = arith.constant 0 : i32
    %dma_wait3A_45 = arith.constant 0 : i32
    %dma_wait3A_46 = tpu.memref_slice %arg2[%add3A_3, %dma_wait3A_44, %dma_wait3A_45] : memref<4x163840x128xf32, #tpu.memory_space<hbm>> -> memref<1x163840x128xf32, #tpu.memory_space<hbm>>
    %dma_wait3A_47 = tpu.memref_squeeze %dma_wait3A_46 : memref<1x163840x128xf32, #tpu.memory_space<hbm>> -> memref<163840x128xf32, #tpu.memory_space<hbm>>
    %dma_wait3A_48 = arith.constant 0 : i32
    %dma_wait3A_49 = tpu.memref_slice %dma_wait3A_47[%mul3A_0, %dma_wait3A_48] : memref<163840x128xf32, #tpu.memory_space<hbm>> -> memref<128x128xf32, #tpu.memory_space<hbm>>
    tpu.wait_dma2 semaphore(%arg11 : memref<!tpu.dma_semaphore, #tpu.memory_space<semaphore_mem>>) src(%dma_wait3A_49 : memref<128x128xf32, #tpu.memory_space<hbm>>) dst(%arg8 : memref<128x128xf32, #tpu.memory_space<vmem>>)
    %dma_wait3A_50 = arith.constant 0 : i32
    %dma_wait3A_51 = arith.constant 0 : i32
    %dma_wait3A_52 = tpu.memref_slice %arg2[%add3A_3, %dma_wait3A_50, %dma_wait3A_51] : memref<4x163840x128xf32, #tpu.memory_space<hbm>> -> memref<1x163840x128xf32, #tpu.memory_space<hbm>>
    %dma_wait3A_53 = tpu.memref_squeeze %dma_wait3A_52 : memref<1x163840x128xf32, #tpu.memory_space<hbm>> -> memref<163840x128xf32, #tpu.memory_space<hbm>>
    %dma_wait3A_54 = arith.constant 0 : i32
    %dma_wait3A_55 = tpu.memref_slice %dma_wait3A_53[%mul3A_0, %dma_wait3A_54] : memref<163840x128xf32, #tpu.memory_space<hbm>> -> memref<128x128xf32, #tpu.memory_space<hbm>>
    %dma_wait3A_56 = arith.constant 0 : i32
    %dma_wait3A_57 = arith.constant 0 : i32
    %dma_wait3A_58 = tpu.memref_slice %arg2[%add3A_3, %dma_wait3A_56, %dma_wait3A_57] : memref<4x163840x128xf32, #tpu.memory_space<hbm>> -> memref<1x163840x128xf32, #tpu.memory_space<hbm>>
    %dma_wait3A_59 = tpu.memref_squeeze %dma_wait3A_58 : memref<1x163840x128xf32, #tpu.memory_space<hbm>> -> memref<163840x128xf32, #tpu.memory_space<hbm>>
    %dma_wait3A_60 = arith.constant 0 : i32
    %dma_wait3A_61 = tpu.memref_slice %dma_wait3A_59[%mul3A_0, %dma_wait3A_60] : memref<163840x128xf32, #tpu.memory_space<hbm>> -> memref<128x128xf32, #tpu.memory_space<hbm>>
    tpu.wait_dma2 semaphore(%arg12 : memref<!tpu.dma_semaphore, #tpu.memory_space<semaphore_mem>>) src(%dma_wait3A_61 : memref<128x128xf32, #tpu.memory_space<hbm>>) dst(%arg9 : memref<128x128xf32, #tpu.memory_space<vmem>>)
    %barrier3A_62 = arith.constant 0 : index
    tpu.barrier barrier_id(%barrier3A_62)
    %mul3A_63 = arith.constant 632 : i32
    %mul3A_64 = arith.muli %arg1, %mul3A_63 : i32
    %min3A = arith.constant 9368 : i32
    %min3A_65 = arith.minsi %mul3A_64, %min3A : i32
    %lt3A = arith.constant 3 : i32
    %lt3A_66 = arith.cmpi slt, %add3A_3, %lt3A : i32
    %convert_element_type3A = arith.extui %lt3A_66 : i1 to i32
    %cond3A = arith.constant 0 : i32
    %cond3A_67 = arith.cmpi ne, %convert_element_type3A, %cond3A : i32
    scf.if %cond3A_67 {
      "tpu.region"() ({
        %run_scoped3A = tpu.sem_alloc : memref<!tpu.dma_semaphore, #tpu.memory_space<semaphore_mem>>
        %dma_start3A_155 = arith.constant 0 : i32
        %dma_start3A_156 = arith.constant 0 : i32
        %dma_start3A_157 = tpu.memref_slice %arg5[%add3A_3, %dma_start3A_155, %dma_start3A_156] : memref<3x10000x128xf32, #tpu.memory_space<hbm>> -> memref<1x10000x128xf32, #tpu.memory_space<hbm>>
        %dma_start3A_158 = tpu.memref_squeeze %dma_start3A_157 : memref<1x10000x128xf32, #tpu.memory_space<hbm>> -> memref<10000x128xf32, #tpu.memory_space<hbm>>
        %dma_start3A_159 = arith.constant 0 : i32
        %dma_start3A_160 = tpu.memref_slice %dma_start3A_158[%min3A_65, %dma_start3A_159] : memref<10000x128xf32, #tpu.memory_space<hbm>> -> memref<632x128xf32, #tpu.memory_space<hbm>>
        %dma_start3A_161 = arith.constant 0 : i32
        %dma_start3A_162 = tpu.memref_slice %arg10[%min3A_65, %dma_start3A_161] : memref<10112x128xf32, #tpu.memory_space<vmem_shared>> -> memref<632x128xf32, #tpu.memory_space<vmem_shared>>
        tpu.enqueue_dma source(%dma_start3A_162 : memref<632x128xf32, #tpu.memory_space<vmem_shared>>) target(%dma_start3A_160 : memref<632x128xf32, #tpu.memory_space<hbm>>) target_semaphore(%run_scoped3A : memref<!tpu.dma_semaphore, #tpu.memory_space<semaphore_mem>>)
        %dma_wait3A_163 = arith.constant 0 : i32
        %dma_wait3A_164 = arith.constant 0 : i32
        %dma_wait3A_165 = tpu.memref_slice %arg5[%add3A_3, %dma_wait3A_163, %dma_wait3A_164] : memref<3x10000x128xf32, #tpu.memory_space<hbm>> -> memref<1x10000x128xf32, #tpu.memory_space<hbm>>
        %dma_wait3A_166 = tpu.memref_squeeze %dma_wait3A_165 : memref<1x10000x128xf32, #tpu.memory_space<hbm>> -> memref<10000x128xf32, #tpu.memory_space<hbm>>
        %dma_wait3A_167 = arith.constant 0 : i32
        %dma_wait3A_168 = tpu.memref_slice %dma_wait3A_166[%min3A_65, %dma_wait3A_167] : memref<10000x128xf32, #tpu.memory_space<hbm>> -> memref<632x128xf32, #tpu.memory_space<hbm>>
        %dma_wait3A_169 = arith.constant 0 : i32
        %dma_wait3A_170 = tpu.memref_slice %arg10[%min3A_65, %dma_wait3A_169] : memref<10112x128xf32, #tpu.memory_space<vmem_shared>> -> memref<632x128xf32, #tpu.memory_space<vmem_shared>>
        tpu.wait_dma2 semaphore(%run_scoped3A : memref<!tpu.dma_semaphore, #tpu.memory_space<semaphore_mem>>) src(%dma_wait3A_170 : memref<632x128xf32, #tpu.memory_space<vmem_shared>>) dst(%dma_wait3A_168 : memref<632x128xf32, #tpu.memory_space<hbm>>)
        tpu.yield
      }) : () -> ()
    } else {
    }
    %eq3A = arith.constant 3 : i32
    %eq3A_68 = arith.cmpi eq, %add3A_3, %eq3A : i32
    %convert_element_type3A_69 = arith.extui %eq3A_68 : i1 to i32
    %cond3A_70 = arith.constant 0 : i32
    %cond3A_71 = arith.cmpi ne, %convert_element_type3A_69, %cond3A_70 : i32
    scf.if %cond3A_71 {
      "tpu.region"() ({
        %run_scoped3A = tpu.sem_alloc : memref<!tpu.dma_semaphore, #tpu.memory_space<semaphore_mem>>
        %dma_start3A_155 = arith.constant 0 : i32
        %dma_start3A_156 = tpu.memref_slice %arg6[%min3A_65, %dma_start3A_155] : memref<10000x128xf32, #tpu.memory_space<hbm>> -> memref<632x128xf32, #tpu.memory_space<hbm>>
        %dma_start3A_157 = arith.constant 0 : i32
        %dma_start3A_158 = tpu.memref_slice %arg10[%min3A_65, %dma_start3A_157] : memref<10112x128xf32, #tpu.memory_space<vmem_shared>> -> memref<632x128xf32, #tpu.memory_space<vmem_shared>>
        tpu.enqueue_dma source(%dma_start3A_158 : memref<632x128xf32, #tpu.memory_space<vmem_shared>>) target(%dma_start3A_156 : memref<632x128xf32, #tpu.memory_space<hbm>>) target_semaphore(%run_scoped3A : memref<!tpu.dma_semaphore, #tpu.memory_space<semaphore_mem>>)
        %dma_wait3A_159 = arith.constant 0 : i32
        %dma_wait3A_160 = tpu.memref_slice %arg6[%min3A_65, %dma_wait3A_159] : memref<10000x128xf32, #tpu.memory_space<hbm>> -> memref<632x128xf32, #tpu.memory_space<hbm>>
        %dma_wait3A_161 = arith.constant 0 : i32
        %dma_wait3A_162 = tpu.memref_slice %arg10[%min3A_65, %dma_wait3A_161] : memref<10112x128xf32, #tpu.memory_space<vmem_shared>> -> memref<632x128xf32, #tpu.memory_space<vmem_shared>>
        tpu.wait_dma2 semaphore(%run_scoped3A : memref<!tpu.dma_semaphore, #tpu.memory_space<semaphore_mem>>) src(%dma_wait3A_162 : memref<632x128xf32, #tpu.memory_space<vmem_shared>>) dst(%dma_wait3A_160 : memref<632x128xf32, #tpu.memory_space<hbm>>)
        tpu.yield
      }) : () -> ()
    } else {
    }
    %barrier3A_72 = arith.constant 0 : index
    tpu.barrier barrier_id(%barrier3A_72)
    %mul3A_73 = arith.constant 2 : i32
    %mul3A_74 = arith.muli %arg0, %mul3A_73 : i32
    %add3A_75 = arith.constant 1 : i32
    %add3A_76 = arith.addi %mul3A_74, %add3A_75 : i32
    %mul3A_77 = arith.constant 632 : i32
    %mul3A_78 = arith.muli %arg1, %mul3A_77 : i32
    "tpu.region"() ({
      %run_scoped3A = tpu.sem_alloc : memref<!tpu.dma_semaphore, #tpu.memory_space<semaphore_mem>>
      %dma_start3A_155 = arith.constant 0 : i32
      %dma_start3A_156 = tpu.memref_slice %arg10[%mul3A_78, %dma_start3A_155] : memref<10112x128xf32, #tpu.memory_space<vmem_shared>> -> memref<632x128xf32, #tpu.memory_space<vmem_shared>>
      tpu.enqueue_dma source(%arg4 : memref<632x128xf32, #tpu.memory_space<hbm>>) target(%dma_start3A_156 : memref<632x128xf32, #tpu.memory_space<vmem_shared>>) target_semaphore(%run_scoped3A : memref<!tpu.dma_semaphore, #tpu.memory_space<semaphore_mem>>)
      %dma_wait3A_157 = arith.constant 0 : i32
      %dma_wait3A_158 = tpu.memref_slice %arg10[%mul3A_78, %dma_wait3A_157] : memref<10112x128xf32, #tpu.memory_space<vmem_shared>> -> memref<632x128xf32, #tpu.memory_space<vmem_shared>>
      tpu.wait_dma2 semaphore(%run_scoped3A : memref<!tpu.dma_semaphore, #tpu.memory_space<semaphore_mem>>) src(%arg4 : memref<632x128xf32, #tpu.memory_space<hbm>>) dst(%dma_wait3A_158 : memref<632x128xf32, #tpu.memory_space<vmem_shared>>)
      tpu.yield
    }) : () -> ()
    %barrier3A_79 = arith.constant 0 : index
    tpu.barrier barrier_id(%barrier3A_79)
    %add3A_80 = arith.constant 0 : i32
    %add3A_81 = arith.addi %mul3A_0, %add3A_80 : i32
    %dma_start3A_82 = arith.constant 0 : i32
    %dma_start3A_83 = arith.constant 0 : i32
    %dma_start3A_84 = tpu.memref_slice %arg2[%add3A_76, %dma_start3A_82, %dma_start3A_83] : memref<4x163840x128xf32, #tpu.memory_space<hbm>> -> memref<1x163840x128xf32, #tpu.memory_space<hbm>>
    %dma_start3A_85 = tpu.memref_squeeze %dma_start3A_84 : memref<1x163840x128xf32, #tpu.memory_space<hbm>> -> memref<163840x128xf32, #tpu.memory_space<hbm>>
    %dma_start3A_86 = arith.constant 0 : i32
    %dma_start3A_87 = tpu.memref_slice %dma_start3A_85[%add3A_81, %dma_start3A_86] : memref<163840x128xf32, #tpu.memory_space<hbm>> -> memref<128x128xf32, #tpu.memory_space<hbm>>
    %dma_start3A_88 = arith.constant 0 : i32
    %dma_start3A_89 = arith.constant 0 : i32
    %dma_start3A_90 = tpu.memref_slice %arg2[%add3A_76, %dma_start3A_88, %dma_start3A_89] : memref<4x163840x128xf32, #tpu.memory_space<hbm>> -> memref<1x163840x128xf32, #tpu.memory_space<hbm>>
    %dma_start3A_91 = tpu.memref_squeeze %dma_start3A_90 : memref<1x163840x128xf32, #tpu.memory_space<hbm>> -> memref<163840x128xf32, #tpu.memory_space<hbm>>
    %dma_start3A_92 = arith.constant 0 : i32
    %dma_start3A_93 = tpu.memref_slice %dma_start3A_91[%add3A_81, %dma_start3A_92] : memref<163840x128xf32, #tpu.memory_space<hbm>> -> memref<128x128xf32, #tpu.memory_space<hbm>>
    tpu.enqueue_dma source(%dma_start3A_93 : memref<128x128xf32, #tpu.memory_space<hbm>>) target(%arg8 : memref<128x128xf32, #tpu.memory_space<vmem>>) target_semaphore(%arg11 : memref<!tpu.dma_semaphore, #tpu.memory_space<semaphore_mem>>)
    %add3A_94 = arith.constant 128 : i32
    %add3A_95 = arith.addi %mul3A_0, %add3A_94 : i32
    %dma_start3A_96 = arith.constant 0 : i32
    %dma_start3A_97 = arith.constant 0 : i32
    %dma_start3A_98 = tpu.memref_slice %arg2[%add3A_76, %dma_start3A_96, %dma_start3A_97] : memref<4x163840x128xf32, #tpu.memory_space<hbm>> -> memref<1x163840x128xf32, #tpu.memory_space<hbm>>
    %dma_start3A_99 = tpu.memref_squeeze %dma_start3A_98 : memref<1x163840x128xf32, #tpu.memory_space<hbm>> -> memref<163840x128xf32, #tpu.memory_space<hbm>>
    %dma_start3A_100 = arith.constant 0 : i32
    %dma_start3A_101 = tpu.memref_slice %dma_start3A_99[%add3A_95, %dma_start3A_100] : memref<163840x128xf32, #tpu.memory_space<hbm>> -> memref<128x128xf32, #tpu.memory_space<hbm>>
    %dma_start3A_102 = arith.constant 0 : i32
    %dma_start3A_103 = arith.constant 0 : i32
    %dma_start3A_104 = tpu.memref_slice %arg2[%add3A_76, %dma_start3A_102, %dma_start3A_103] : memref<4x163840x128xf32, #tpu.memory_space<hbm>> -> memref<1x163840x128xf32, #tpu.memory_space<hbm>>
    %dma_start3A_105 = tpu.memref_squeeze %dma_start3A_104 : memref<1x163840x128xf32, #tpu.memory_space<hbm>> -> memref<163840x128xf32, #tpu.memory_space<hbm>>
    %dma_start3A_106 = arith.constant 0 : i32
    %dma_start3A_107 = tpu.memref_slice %dma_start3A_105[%add3A_95, %dma_start3A_106] : memref<163840x128xf32, #tpu.memory_space<hbm>> -> memref<128x128xf32, #tpu.memory_space<hbm>>
    tpu.enqueue_dma source(%dma_start3A_107 : memref<128x128xf32, #tpu.memory_space<hbm>>) target(%arg9 : memref<128x128xf32, #tpu.memory_space<vmem>>) target_semaphore(%arg12 : memref<!tpu.dma_semaphore, #tpu.memory_space<semaphore_mem>>)
    %scan3A_108 = arith.constant 0 : i32
    %scan3A_109 = arith.constant 0 : i32
    %scan3A_110 = arith.constant 40 : i32
    %scan3A_111 = arith.addi %scan3A_109, %scan3A_110 : i32
    %scan3A_112 = arith.constant 1 : i32
    %scan3A_113 = scf.for %scan3A_155 = %scan3A_109 to %scan3A_111 step %scan3A_112 iter_args(%scan3A_156 = %scan3A_108) -> (i32)  : i32 {
      %mul3A_157 = arith.constant 2 : i32
      %mul3A_158 = arith.muli %scan3A_155, %mul3A_157 : i32
      %add3A_159 = arith.constant 0 : i32
      %add3A_160 = arith.addi %mul3A_158, %add3A_159 : i32
      %dma_wait3A_161 = arith.constant 0 : i32
      %dma_wait3A_162 = arith.constant 0 : i32
      %dma_wait3A_163 = tpu.memref_slice %arg2[%add3A_76, %dma_wait3A_161, %dma_wait3A_162] : memref<4x163840x128xf32, #tpu.memory_space<hbm>> -> memref<1x163840x128xf32, #tpu.memory_space<hbm>>
      %dma_wait3A_164 = tpu.memref_squeeze %dma_wait3A_163 : memref<1x163840x128xf32, #tpu.memory_space<hbm>> -> memref<163840x128xf32, #tpu.memory_space<hbm>>
      %dma_wait3A_165 = arith.constant 0 : i32
      %dma_wait3A_166 = tpu.memref_slice %dma_wait3A_164[%mul3A_0, %dma_wait3A_165] : memref<163840x128xf32, #tpu.memory_space<hbm>> -> memref<128x128xf32, #tpu.memory_space<hbm>>
      %dma_wait3A_167 = arith.constant 0 : i32
      %dma_wait3A_168 = arith.constant 0 : i32
      %dma_wait3A_169 = tpu.memref_slice %arg2[%add3A_76, %dma_wait3A_167, %dma_wait3A_168] : memref<4x163840x128xf32, #tpu.memory_space<hbm>> -> memref<1x163840x128xf32, #tpu.memory_space<hbm>>
      %dma_wait3A_170 = tpu.memref_squeeze %dma_wait3A_169 : memref<1x163840x128xf32, #tpu.memory_space<hbm>> -> memref<163840x128xf32, #tpu.memory_space<hbm>>
      %dma_wait3A_171 = arith.constant 0 : i32
      %dma_wait3A_172 = tpu.memref_slice %dma_wait3A_170[%mul3A_0, %dma_wait3A_171] : memref<163840x128xf32, #tpu.memory_space<hbm>> -> memref<128x128xf32, #tpu.memory_space<hbm>>
      tpu.wait_dma2 semaphore(%arg11 : memref<!tpu.dma_semaphore, #tpu.memory_space<semaphore_mem>>) src(%dma_wait3A_172 : memref<128x128xf32, #tpu.memory_space<hbm>>) dst(%arg8 : memref<128x128xf32, #tpu.memory_space<vmem>>)
      "tpu.region"() ({
        %run_scoped3A = tpu.sem_alloc : memref<!tpu.dma_semaphore, #tpu.memory_space<semaphore_mem>>
        %dma_start3A_228 = arith.constant 0 : i32
        %dma_start3A_229 = tpu.memref_slice %arg7[%add3A_160, %dma_start3A_228] : memref<80x128xi32, #tpu.memory_space<vmem>> -> memref<1x128xi32, #tpu.memory_space<vmem>>
        %dma_start3A_230 = tpu.memref_squeeze %dma_start3A_229 : memref<1x128xi32, #tpu.memory_space<vmem>> -> memref<128xi32, #tpu.memory_space<vmem>>
        %dma_start3A_231 = arith.constant 0 : i32
        %dma_start3A_232 = arith.constant 0 : i32
        %dma_start3A_233 = tpu.memref_slice %arg10[%dma_start3A_231, %dma_start3A_232] : memref<10112x128xf32, #tpu.memory_space<vmem_shared>> -> memref<10112x128xf32, #tpu.memory_space<vmem_shared>>
        tpu.enqueue_indirect_dma source(%arg8 : memref<128x128xf32, #tpu.memory_space<vmem>>) target(%dma_start3A_233 : memref<10112x128xf32, #tpu.memory_space<vmem_shared>>) offsets(%dma_start3A_230 : memref<128xi32, #tpu.memory_space<vmem>>) semaphore(%run_scoped3A : memref<!tpu.dma_semaphore, #tpu.memory_space<semaphore_mem>>) {add = true}
        %dma_wait3A_234 = arith.constant 0 : i32
        %dma_wait3A_235 = tpu.memref_slice %arg7[%add3A_160, %dma_wait3A_234] : memref<80x128xi32, #tpu.memory_space<vmem>> -> memref<1x128xi32, #tpu.memory_space<vmem>>
        %dma_wait3A_236 = tpu.memref_squeeze %dma_wait3A_235 : memref<1x128xi32, #tpu.memory_space<vmem>> -> memref<128xi32, #tpu.memory_space<vmem>>
        %dma_wait3A_237 = arith.constant 0 : i32
        %dma_wait3A_238 = arith.constant 0 : i32
        %dma_wait3A_239 = tpu.memref_slice %arg10[%dma_wait3A_237, %dma_wait3A_238] : memref<10112x128xf32, #tpu.memory_space<vmem_shared>> -> memref<10112x128xf32, #tpu.memory_space<vmem_shared>>
        tpu.wait_indirect_dma semaphore(%run_scoped3A : memref<!tpu.dma_semaphore, #tpu.memory_space<semaphore_mem>>) src(%arg8 : memref<128x128xf32, #tpu.memory_space<vmem>>) dst(%dma_wait3A_239 : memref<10112x128xf32, #tpu.memory_space<vmem_shared>>)
        tpu.yield
      }) : () -> ()
      %add3A_173 = arith.constant 2 : i32
      %add3A_174 = arith.addi %add3A_160, %add3A_173 : i32
      %min3A_175 = arith.constant 79 : i32
      %min3A_176 = arith.minsi %add3A_174, %min3A_175 : i32
      %mul3A_177 = arith.constant 128 : i32
      %mul3A_178 = arith.muli %min3A_176, %mul3A_177 : i32
      %add3A_179 = arith.addi %mul3A_0, %mul3A_178 : i32
      %dma_start3A_180 = arith.constant 0 : i32
      %dma_start3A_181 = arith.constant 0 : i32
      %dma_start3A_182 = tpu.memref_slice %arg2[%add3A_76, %dma_start3A_180, %dma_start3A_181] : memref<4x163840x128xf32, #tpu.memory_space<hbm>> -> memref<1x163840x128xf32, #tpu.memory_space<hbm>>
      %dma_start3A_183 = tpu.memref_squeeze %dma_start3A_182 : memref<1x163840x128xf32, #tpu.memory_space<hbm>> -> memref<163840x128xf32, #tpu.memory_space<hbm>>
      %dma_start3A_184 = arith.constant 0 : i32
      %dma_start3A_185 = tpu.memref_slice %dma_start3A_183[%add3A_179, %dma_start3A_184] : memref<163840x128xf32, #tpu.memory_space<hbm>> -> memref<128x128xf32, #tpu.memory_space<hbm>>
      %dma_start3A_186 = arith.constant 0 : i32
      %dma_start3A_187 = arith.constant 0 : i32
      %dma_start3A_188 = tpu.memref_slice %arg2[%add3A_76, %dma_start3A_186, %dma_start3A_187] : memref<4x163840x128xf32, #tpu.memory_space<hbm>> -> memref<1x163840x128xf32, #tpu.memory_space<hbm>>
      %dma_start3A_189 = tpu.memref_squeeze %dma_start3A_188 : memref<1x163840x128xf32, #tpu.memory_space<hbm>> -> memref<163840x128xf32, #tpu.memory_space<hbm>>
      %dma_start3A_190 = arith.constant 0 : i32
      %dma_start3A_191 = tpu.memref_slice %dma_start3A_189[%add3A_179, %dma_start3A_190] : memref<163840x128xf32, #tpu.memory_space<hbm>> -> memref<128x128xf32, #tpu.memory_space<hbm>>
      tpu.enqueue_dma source(%dma_start3A_191 : memref<128x128xf32, #tpu.memory_space<hbm>>) target(%arg8 : memref<128x128xf32, #tpu.memory_space<vmem>>) target_semaphore(%arg11 : memref<!tpu.dma_semaphore, #tpu.memory_space<semaphore_mem>>)
      %mul3A_192 = arith.constant 2 : i32
      %mul3A_193 = arith.muli %scan3A_155, %mul3A_192 : i32
      %add3A_194 = arith.constant 1 : i32
      %add3A_195 = arith.addi %mul3A_193, %add3A_194 : i32
      %dma_wait3A_196 = arith.constant 0 : i32
      %dma_wait3A_197 = arith.constant 0 : i32
      %dma_wait3A_198 = tpu.memref_slice %arg2[%add3A_76, %dma_wait3A_196, %dma_wait3A_197] : memref<4x163840x128xf32, #tpu.memory_space<hbm>> -> memref<1x163840x128xf32, #tpu.memory_space<hbm>>
      %dma_wait3A_199 = tpu.memref_squeeze %dma_wait3A_198 : memref<1x163840x128xf32, #tpu.memory_space<hbm>> -> memref<163840x128xf32, #tpu.memory_space<hbm>>
      %dma_wait3A_200 = arith.constant 0 : i32
      %dma_wait3A_201 = tpu.memref_slice %dma_wait3A_199[%mul3A_0, %dma_wait3A_200] : memref<163840x128xf32, #tpu.memory_space<hbm>> -> memref<128x128xf32, #tpu.memory_space<hbm>>
      %dma_wait3A_202 = arith.constant 0 : i32
      %dma_wait3A_203 = arith.constant 0 : i32
      %dma_wait3A_204 = tpu.memref_slice %arg2[%add3A_76, %dma_wait3A_202, %dma_wait3A_203] : memref<4x163840x128xf32, #tpu.memory_space<hbm>> -> memref<1x163840x128xf32, #tpu.memory_space<hbm>>
      %dma_wait3A_205 = tpu.memref_squeeze %dma_wait3A_204 : memref<1x163840x128xf32, #tpu.memory_space<hbm>> -> memref<163840x128xf32, #tpu.memory_space<hbm>>
      %dma_wait3A_206 = arith.constant 0 : i32
      %dma_wait3A_207 = tpu.memref_slice %dma_wait3A_205[%mul3A_0, %dma_wait3A_206] : memref<163840x128xf32, #tpu.memory_space<hbm>> -> memref<128x128xf32, #tpu.memory_space<hbm>>
      tpu.wait_dma2 semaphore(%arg12 : memref<!tpu.dma_semaphore, #tpu.memory_space<semaphore_mem>>) src(%dma_wait3A_207 : memref<128x128xf32, #tpu.memory_space<hbm>>) dst(%arg9 : memref<128x128xf32, #tpu.memory_space<vmem>>)
      "tpu.region"() ({
        %run_scoped3A = tpu.sem_alloc : memref<!tpu.dma_semaphore, #tpu.memory_space<semaphore_mem>>
        %dma_start3A_228 = arith.constant 0 : i32
        %dma_start3A_229 = tpu.memref_slice %arg7[%add3A_195, %dma_start3A_228] : memref<80x128xi32, #tpu.memory_space<vmem>> -> memref<1x128xi32, #tpu.memory_space<vmem>>
        %dma_start3A_230 = tpu.memref_squeeze %dma_start3A_229 : memref<1x128xi32, #tpu.memory_space<vmem>> -> memref<128xi32, #tpu.memory_space<vmem>>
        %dma_start3A_231 = arith.constant 0 : i32
        %dma_start3A_232 = arith.constant 0 : i32
        %dma_start3A_233 = tpu.memref_slice %arg10[%dma_start3A_231, %dma_start3A_232] : memref<10112x128xf32, #tpu.memory_space<vmem_shared>> -> memref<10112x128xf32, #tpu.memory_space<vmem_shared>>
        tpu.enqueue_indirect_dma source(%arg9 : memref<128x128xf32, #tpu.memory_space<vmem>>) target(%dma_start3A_233 : memref<10112x128xf32, #tpu.memory_space<vmem_shared>>) offsets(%dma_start3A_230 : memref<128xi32, #tpu.memory_space<vmem>>) semaphore(%run_scoped3A : memref<!tpu.dma_semaphore, #tpu.memory_space<semaphore_mem>>) {add = true}
        %dma_wait3A_234 = arith.constant 0 : i32
        %dma_wait3A_235 = tpu.memref_slice %arg7[%add3A_195, %dma_wait3A_234] : memref<80x128xi32, #tpu.memory_space<vmem>> -> memref<1x128xi32, #tpu.memory_space<vmem>>
        %dma_wait3A_236 = tpu.memref_squeeze %dma_wait3A_235 : memref<1x128xi32, #tpu.memory_space<vmem>> -> memref<128xi32, #tpu.memory_space<vmem>>
        %dma_wait3A_237 = arith.constant 0 : i32
        %dma_wait3A_238 = arith.constant 0 : i32
        %dma_wait3A_239 = tpu.memref_slice %arg10[%dma_wait3A_237, %dma_wait3A_238] : memref<10112x128xf32, #tpu.memory_space<vmem_shared>> -> memref<10112x128xf32, #tpu.memory_space<vmem_shared>>
        tpu.wait_indirect_dma semaphore(%run_scoped3A : memref<!tpu.dma_semaphore, #tpu.memory_space<semaphore_mem>>) src(%arg9 : memref<128x128xf32, #tpu.memory_space<vmem>>) dst(%dma_wait3A_239 : memref<10112x128xf32, #tpu.memory_space<vmem_shared>>)
        tpu.yield
      }) : () -> ()
      %add3A_208 = arith.constant 2 : i32
      %add3A_209 = arith.addi %add3A_195, %add3A_208 : i32
      %min3A_210 = arith.constant 79 : i32
      %min3A_211 = arith.minsi %add3A_209, %min3A_210 : i32
      %mul3A_212 = arith.constant 128 : i32
      %mul3A_213 = arith.muli %min3A_211, %mul3A_212 : i32
      %add3A_214 = arith.addi %mul3A_0, %mul3A_213 : i32
      %dma_start3A_215 = arith.constant 0 : i32
      %dma_start3A_216 = arith.constant 0 : i32
      %dma_start3A_217 = tpu.memref_slice %arg2[%add3A_76, %dma_start3A_215, %dma_start3A_216] : memref<4x163840x128xf32, #tpu.memory_space<hbm>> -> memref<1x163840x128xf32, #tpu.memory_space<hbm>>
      %dma_start3A_218 = tpu.memref_squeeze %dma_start3A_217 : memref<1x163840x128xf32, #tpu.memory_space<hbm>> -> memref<163840x128xf32, #tpu.memory_space<hbm>>
      %dma_start3A_219 = arith.constant 0 : i32
      %dma_start3A_220 = tpu.memref_slice %dma_start3A_218[%add3A_214, %dma_start3A_219] : memref<163840x128xf32, #tpu.memory_space<hbm>> -> memref<128x128xf32, #tpu.memory_space<hbm>>
      %dma_start3A_221 = arith.constant 0 : i32
      %dma_start3A_222 = arith.constant 0 : i32
      %dma_start3A_223 = tpu.memref_slice %arg2[%add3A_76, %dma_start3A_221, %dma_start3A_222] : memref<4x163840x128xf32, #tpu.memory_space<hbm>> -> memref<1x163840x128xf32, #tpu.memory_space<hbm>>
      %dma_start3A_224 = tpu.memref_squeeze %dma_start3A_223 : memref<1x163840x128xf32, #tpu.memory_space<hbm>> -> memref<163840x128xf32, #tpu.memory_space<hbm>>
      %dma_start3A_225 = arith.constant 0 : i32
      %dma_start3A_226 = tpu.memref_slice %dma_start3A_224[%add3A_214, %dma_start3A_225] : memref<163840x128xf32, #tpu.memory_space<hbm>> -> memref<128x128xf32, #tpu.memory_space<hbm>>
      tpu.enqueue_dma source(%dma_start3A_226 : memref<128x128xf32, #tpu.memory_space<hbm>>) target(%arg9 : memref<128x128xf32, #tpu.memory_space<vmem>>) target_semaphore(%arg12 : memref<!tpu.dma_semaphore, #tpu.memory_space<semaphore_mem>>)
      %scan3A_227 = arith.constant 0 : i32
      scf.yield %scan3A_227 : i32
    }
    %scan3A_114 = arith.constant 40 : i32
    %dma_wait3A_115 = arith.constant 0 : i32
    %dma_wait3A_116 = arith.constant 0 : i32
    %dma_wait3A_117 = tpu.memref_slice %arg2[%add3A_76, %dma_wait3A_115, %dma_wait3A_116] : memref<4x163840x128xf32, #tpu.memory_space<hbm>> -> memref<1x163840x128xf32, #tpu.memory_space<hbm>>
    %dma_wait3A_118 = tpu.memref_squeeze %dma_wait3A_117 : memref<1x163840x128xf32, #tpu.memory_space<hbm>> -> memref<163840x128xf32, #tpu.memory_space<hbm>>
    %dma_wait3A_119 = arith.constant 0 : i32
    %dma_wait3A_120 = tpu.memref_slice %dma_wait3A_118[%mul3A_0, %dma_wait3A_119] : memref<163840x128xf32, #tpu.memory_space<hbm>> -> memref<128x128xf32, #tpu.memory_space<hbm>>
    %dma_wait3A_121 = arith.constant 0 : i32
    %dma_wait3A_122 = arith.constant 0 : i32
    %dma_wait3A_123 = tpu.memref_slice %arg2[%add3A_76, %dma_wait3A_121, %dma_wait3A_122] : memref<4x163840x128xf32, #tpu.memory_space<hbm>> -> memref<1x163840x128xf32, #tpu.memory_space<hbm>>
    %dma_wait3A_124 = tpu.memref_squeeze %dma_wait3A_123 : memref<1x163840x128xf32, #tpu.memory_space<hbm>> -> memref<163840x128xf32, #tpu.memory_space<hbm>>
    %dma_wait3A_125 = arith.constant 0 : i32
    %dma_wait3A_126 = tpu.memref_slice %dma_wait3A_124[%mul3A_0, %dma_wait3A_125] : memref<163840x128xf32, #tpu.memory_space<hbm>> -> memref<128x128xf32, #tpu.memory_space<hbm>>
    tpu.wait_dma2 semaphore(%arg11 : memref<!tpu.dma_semaphore, #tpu.memory_space<semaphore_mem>>) src(%dma_wait3A_126 : memref<128x128xf32, #tpu.memory_space<hbm>>) dst(%arg8 : memref<128x128xf32, #tpu.memory_space<vmem>>)
    %dma_wait3A_127 = arith.constant 0 : i32
    %dma_wait3A_128 = arith.constant 0 : i32
    %dma_wait3A_129 = tpu.memref_slice %arg2[%add3A_76, %dma_wait3A_127, %dma_wait3A_128] : memref<4x163840x128xf32, #tpu.memory_space<hbm>> -> memref<1x163840x128xf32, #tpu.memory_space<hbm>>
    %dma_wait3A_130 = tpu.memref_squeeze %dma_wait3A_129 : memref<1x163840x128xf32, #tpu.memory_space<hbm>> -> memref<163840x128xf32, #tpu.memory_space<hbm>>
    %dma_wait3A_131 = arith.constant 0 : i32
    %dma_wait3A_132 = tpu.memref_slice %dma_wait3A_130[%mul3A_0, %dma_wait3A_131] : memref<163840x128xf32, #tpu.memory_space<hbm>> -> memref<128x128xf32, #tpu.memory_space<hbm>>
    %dma_wait3A_133 = arith.constant 0 : i32
    %dma_wait3A_134 = arith.constant 0 : i32
    %dma_wait3A_135 = tpu.memref_slice %arg2[%add3A_76, %dma_wait3A_133, %dma_wait3A_134] : memref<4x163840x128xf32, #tpu.memory_space<hbm>> -> memref<1x163840x128xf32, #tpu.memory_space<hbm>>
    %dma_wait3A_136 = tpu.memref_squeeze %dma_wait3A_135 : memref<1x163840x128xf32, #tpu.memory_space<hbm>> -> memref<163840x128xf32, #tpu.memory_space<hbm>>
    %dma_wait3A_137 = arith.constant 0 : i32
    %dma_wait3A_138 = tpu.memref_slice %dma_wait3A_136[%mul3A_0, %dma_wait3A_137] : memref<163840x128xf32, #tpu.memory_space<hbm>> -> memref<128x128xf32, #tpu.memory_space<hbm>>
    tpu.wait_dma2 semaphore(%arg12 : memref<!tpu.dma_semaphore, #tpu.memory_space<semaphore_mem>>) src(%dma_wait3A_138 : memref<128x128xf32, #tpu.memory_space<hbm>>) dst(%arg9 : memref<128x128xf32, #tpu.memory_space<vmem>>)
    %barrier3A_139 = arith.constant 0 : index
    tpu.barrier barrier_id(%barrier3A_139)
    %mul3A_140 = arith.constant 632 : i32
    %mul3A_141 = arith.muli %arg1, %mul3A_140 : i32
    %min3A_142 = arith.constant 9368 : i32
    %min3A_143 = arith.minsi %mul3A_141, %min3A_142 : i32
    %lt3A_144 = arith.constant 3 : i32
    %lt3A_145 = arith.cmpi slt, %add3A_76, %lt3A_144 : i32
    %convert_element_type3A_146 = arith.extui %lt3A_145 : i1 to i32
    %cond3A_147 = arith.constant 0 : i32
    %cond3A_148 = arith.cmpi ne, %convert_element_type3A_146, %cond3A_147 : i32
    scf.if %cond3A_148 {
      "tpu.region"() ({
        %run_scoped3A = tpu.sem_alloc : memref<!tpu.dma_semaphore, #tpu.memory_space<semaphore_mem>>
        %dma_start3A_155 = arith.constant 0 : i32
        %dma_start3A_156 = arith.constant 0 : i32
        %dma_start3A_157 = tpu.memref_slice %arg5[%add3A_76, %dma_start3A_155, %dma_start3A_156] : memref<3x10000x128xf32, #tpu.memory_space<hbm>> -> memref<1x10000x128xf32, #tpu.memory_space<hbm>>
        %dma_start3A_158 = tpu.memref_squeeze %dma_start3A_157 : memref<1x10000x128xf32, #tpu.memory_space<hbm>> -> memref<10000x128xf32, #tpu.memory_space<hbm>>
        %dma_start3A_159 = arith.constant 0 : i32
        %dma_start3A_160 = tpu.memref_slice %dma_start3A_158[%min3A_143, %dma_start3A_159] : memref<10000x128xf32, #tpu.memory_space<hbm>> -> memref<632x128xf32, #tpu.memory_space<hbm>>
        %dma_start3A_161 = arith.constant 0 : i32
        %dma_start3A_162 = tpu.memref_slice %arg10[%min3A_143, %dma_start3A_161] : memref<10112x128xf32, #tpu.memory_space<vmem_shared>> -> memref<632x128xf32, #tpu.memory_space<vmem_shared>>
        tpu.enqueue_dma source(%dma_start3A_162 : memref<632x128xf32, #tpu.memory_space<vmem_shared>>) target(%dma_start3A_160 : memref<632x128xf32, #tpu.memory_space<hbm>>) target_semaphore(%run_scoped3A : memref<!tpu.dma_semaphore, #tpu.memory_space<semaphore_mem>>)
        %dma_wait3A_163 = arith.constant 0 : i32
        %dma_wait3A_164 = arith.constant 0 : i32
        %dma_wait3A_165 = tpu.memref_slice %arg5[%add3A_76, %dma_wait3A_163, %dma_wait3A_164] : memref<3x10000x128xf32, #tpu.memory_space<hbm>> -> memref<1x10000x128xf32, #tpu.memory_space<hbm>>
        %dma_wait3A_166 = tpu.memref_squeeze %dma_wait3A_165 : memref<1x10000x128xf32, #tpu.memory_space<hbm>> -> memref<10000x128xf32, #tpu.memory_space<hbm>>
        %dma_wait3A_167 = arith.constant 0 : i32
        %dma_wait3A_168 = tpu.memref_slice %dma_wait3A_166[%min3A_143, %dma_wait3A_167] : memref<10000x128xf32, #tpu.memory_space<hbm>> -> memref<632x128xf32, #tpu.memory_space<hbm>>
        %dma_wait3A_169 = arith.constant 0 : i32
        %dma_wait3A_170 = tpu.memref_slice %arg10[%min3A_143, %dma_wait3A_169] : memref<10112x128xf32, #tpu.memory_space<vmem_shared>> -> memref<632x128xf32, #tpu.memory_space<vmem_shared>>
        tpu.wait_dma2 semaphore(%run_scoped3A : memref<!tpu.dma_semaphore, #tpu.memory_space<semaphore_mem>>) src(%dma_wait3A_170 : memref<632x128xf32, #tpu.memory_space<vmem_shared>>) dst(%dma_wait3A_168 : memref<632x128xf32, #tpu.memory_space<hbm>>)
        tpu.yield
      }) : () -> ()
    } else {
    }
    %eq3A_149 = arith.constant 3 : i32
    %eq3A_150 = arith.cmpi eq, %add3A_76, %eq3A_149 : i32
    %convert_element_type3A_151 = arith.extui %eq3A_150 : i1 to i32
    %cond3A_152 = arith.constant 0 : i32
    %cond3A_153 = arith.cmpi ne, %convert_element_type3A_151, %cond3A_152 : i32
    scf.if %cond3A_153 {
      "tpu.region"() ({
        %run_scoped3A = tpu.sem_alloc : memref<!tpu.dma_semaphore, #tpu.memory_space<semaphore_mem>>
        %dma_start3A_155 = arith.constant 0 : i32
        %dma_start3A_156 = tpu.memref_slice %arg6[%min3A_143, %dma_start3A_155] : memref<10000x128xf32, #tpu.memory_space<hbm>> -> memref<632x128xf32, #tpu.memory_space<hbm>>
        %dma_start3A_157 = arith.constant 0 : i32
        %dma_start3A_158 = tpu.memref_slice %arg10[%min3A_143, %dma_start3A_157] : memref<10112x128xf32, #tpu.memory_space<vmem_shared>> -> memref<632x128xf32, #tpu.memory_space<vmem_shared>>
        tpu.enqueue_dma source(%dma_start3A_158 : memref<632x128xf32, #tpu.memory_space<vmem_shared>>) target(%dma_start3A_156 : memref<632x128xf32, #tpu.memory_space<hbm>>) target_semaphore(%run_scoped3A : memref<!tpu.dma_semaphore, #tpu.memory_space<semaphore_mem>>)
        %dma_wait3A_159 = arith.constant 0 : i32
        %dma_wait3A_160 = tpu.memref_slice %arg6[%min3A_143, %dma_wait3A_159] : memref<10000x128xf32, #tpu.memory_space<hbm>> -> memref<632x128xf32, #tpu.memory_space<hbm>>
        %dma_wait3A_161 = arith.constant 0 : i32
        %dma_wait3A_162 = tpu.memref_slice %arg10[%min3A_143, %dma_wait3A_161] : memref<10112x128xf32, #tpu.memory_space<vmem_shared>> -> memref<632x128xf32, #tpu.memory_space<vmem_shared>>
        tpu.wait_dma2 semaphore(%run_scoped3A : memref<!tpu.dma_semaphore, #tpu.memory_space<semaphore_mem>>) src(%dma_wait3A_162 : memref<632x128xf32, #tpu.memory_space<vmem_shared>>) dst(%dma_wait3A_160 : memref<632x128xf32, #tpu.memory_space<hbm>>)
        tpu.yield
      }) : () -> ()
    } else {
    }
    %barrier3A_154 = arith.constant 0 : index
    tpu.barrier barrier_id(%barrier3A_154)
    return
  }
}

module attributes {stable_mosaic.version = 14 : i64} {
  func.func @_norm_body(%arg0: memref<3750x128xf32, #tpu.memory_space<vmem>>, %arg1: memref<1x1xf32, #tpu.memory_space<smem>>) attributes {dimension_semantics = [], scalar_prefetch = 0 : i64, scratch_operands = 0 : i64, tpu.core_type = #tpu.core_type<tc>} {
    %get3A = arith.constant 0 : index
    %get3A_0 = arith.constant 0 : index
    %get3A_1 = vector.load %arg0[%get3A, %get3A_0] : memref<3750x128xf32, #tpu.memory_space<vmem>>, vector<3750x128xf32>
    %mul3A = arith.mulf %get3A_1, %get3A_1 : vector<3750x128xf32>
    %reduce_sum3A = vector.shape_cast %mul3A : vector<3750x128xf32> to vector<1x3750x128xf32>
    %reduce_sum3A_2 = arith.constant dense<0.000000e+00> : vector<1xf32>
    %reduce_sum3A_3 = vector.multi_reduction <add>, %reduce_sum3A, %reduce_sum3A_2 [1, 2] : vector<1x3750x128xf32> to vector<1xf32>
    %reduce_sum3A_4 = vector.shape_cast %reduce_sum3A_3 : vector<1xf32> to vector<1x1x1xf32>
    %reduce_sum3A_5 = vector.extract %reduce_sum3A_4[0, 0, 0] : f32 from vector<1x1x1xf32>
    %sqrt3A = math.sqrt %reduce_sum3A_5 : f32
    %div3A = arith.constant 1.000000e+00 : f32
    %div3A_6 = arith.divf %div3A, %sqrt3A : f32
    %swap3A = arith.constant 0 : index
    %swap3A_7 = arith.constant 0 : index
    %swap3A_8 = memref.load %arg1[%swap3A, %swap3A_7] : memref<1x1xf32, #tpu.memory_space<smem>>
    memref.store %div3A_6, %arg1[%swap3A, %swap3A_7] : memref<1x1xf32, #tpu.memory_space<smem>>
    return
  }
}

module attributes {stable_mosaic.version = 14 : i64} {
  func.func @_dense_body(%arg0: i32, %arg1: memref<1x1xf32, #tpu.memory_space<smem>>, %arg2: memref<1280x128xf32, #tpu.memory_space<vmem>>, %arg3: memref<3x1280xf32, #tpu.memory_space<vmem>>, %arg4: memref<3x1280x128xf32, #tpu.memory_space<vmem>>, %arg5: memref<128x128xf32, #tpu.memory_space<vmem>>, %arg6: memref<1x128xf32, #tpu.memory_space<vmem>>, %arg7: memref<128x384xf32, #tpu.memory_space<vmem>>, %arg8: memref<1x384xf32, #tpu.memory_space<vmem>>, %arg9: memref<20x384xf32, #tpu.memory_space<vmem>>, %arg10: memref<1x384xf32, #tpu.memory_space<vmem>>, %arg11: memref<4x1280x128xf32, #tpu.memory_space<vmem>>) attributes {dimension_semantics = [#tpu.dimension_semantics<arbitrary>], iteration_bounds = array<i64: 128>, scalar_prefetch = 0 : i64, scratch_operands = 0 : i64, tpu.core_type = #tpu.core_type<tc>, window_params = [{transform_indices = @transform_0, window_bounds = array<i64: 1, 1>}, {transform_indices = @transform_1, window_bounds = array<i64: 1280, 128>}, {transform_indices = @transform_2, window_bounds = array<i64: 3, 1280>}, {transform_indices = @transform_3, window_bounds = array<i64: 3, 1280, 128>}, {pipeline_mode = #tpu.pipeline_mode<synchronous>, transform_indices = @transform_4, window_bounds = array<i64: 128, 128>}, {pipeline_mode = #tpu.pipeline_mode<synchronous>, transform_indices = @transform_5, window_bounds = array<i64: 1, 128>}, {pipeline_mode = #tpu.pipeline_mode<synchronous>, transform_indices = @transform_6, window_bounds = array<i64: 128, 384>}, {pipeline_mode = #tpu.pipeline_mode<synchronous>, transform_indices = @transform_7, window_bounds = array<i64: 1, 384>}, {pipeline_mode = #tpu.pipeline_mode<synchronous>, transform_indices = @transform_8, window_bounds = array<i64: 20, 384>}, {pipeline_mode = #tpu.pipeline_mode<synchronous>, transform_indices = @transform_9, window_bounds = array<i64: 1, 384>}, {transform_indices = @transform_10, window_bounds = array<i64: 4, 1280, 128>}]} {
    %get3A = arith.constant 0 : index
    %get3A_0 = arith.constant 0 : index
    %get3A_1 = vector.load %arg2[%get3A, %get3A_0] : memref<1280x128xf32, #tpu.memory_space<vmem>>, vector<1280x128xf32>
    %get3A_2 = arith.constant 0 : index
    %get3A_3 = arith.constant 0 : index
    %get3A_4 = vector.load %arg5[%get3A_2, %get3A_3] : memref<128x128xf32, #tpu.memory_space<vmem>>, vector<128x128xf32>
    %dot_general3A = arith.constant dense<0.000000e+00> : vector<1280x128xf32>
    %dot_general3A_5 = tpu.matmul %get3A_1, %get3A_4, %dot_general3A {dimension_numbers = #tpu.dot_dimension_numbers<[1], [0], [0], [1], [0, 0, 1, 1], [], []>, transpose_lhs_hint = false} : vector<1280x128xf32>, vector<128x128xf32>, vector<1280x128xf32> -> vector<1280x128xf32>
    %get3A_6 = arith.constant 0 : index
    %get3A_7 = arith.constant 0 : index
    %get3A_8 = vector.load %arg6[%get3A_6, %get3A_7] : memref<1x128xf32, #tpu.memory_space<vmem>>, vector<1x128xf32>
    %add3A = vector.broadcast %get3A_8 : vector<1x128xf32> to vector<1280x128xf32>
    %add3A_9 = arith.addf %dot_general3A_5, %add3A : vector<1280x128xf32>
    %logistic3A = arith.negf %add3A_9 : vector<1280x128xf32>
    %logistic3A_10 = math.exp %logistic3A : vector<1280x128xf32>
    %logistic3A_11 = arith.constant 1.000000e+00 : f32
    %logistic3A_12 = vector.broadcast %logistic3A_11 : f32 to vector<1280x128xf32>
    %logistic3A_13 = arith.addf %logistic3A_12, %logistic3A_10 : vector<1280x128xf32>
    %logistic3A_14 = arith.divf %logistic3A_12, %logistic3A_13 : vector<1280x128xf32>
    %mul3A = arith.mulf %add3A_9, %logistic3A_14 : vector<1280x128xf32>
    %get3A_15 = arith.constant 0 : index
    %get3A_16 = arith.constant 0 : index
    %get3A_17 = vector.load %arg7[%get3A_15, %get3A_16] : memref<128x384xf32, #tpu.memory_space<vmem>>, vector<128x384xf32>
    %dot_general3A_18 = arith.constant dense<0.000000e+00> : vector<1280x384xf32>
    %dot_general3A_19 = tpu.matmul %mul3A, %get3A_17, %dot_general3A_18 {dimension_numbers = #tpu.dot_dimension_numbers<[1], [0], [0], [1], [0, 0, 1, 1], [], []>, transpose_lhs_hint = false} : vector<1280x128xf32>, vector<128x384xf32>, vector<1280x384xf32> -> vector<1280x384xf32>
    %get3A_20 = arith.constant 0 : index
    %get3A_21 = arith.constant 0 : index
    %get3A_22 = vector.load %arg8[%get3A_20, %get3A_21] : memref<1x384xf32, #tpu.memory_space<vmem>>, vector<1x384xf32>
    %add3A_23 = vector.broadcast %get3A_22 : vector<1x384xf32> to vector<1280x384xf32>
    %add3A_24 = arith.addf %dot_general3A_19, %add3A_23 : vector<1280x384xf32>
    %get3A_25 = arith.constant 0 : index
    %get3A_26 = arith.constant 0 : index
    %get3A_27 = vector.load %arg3[%get3A_25, %get3A_26] : memref<3x1280xf32, #tpu.memory_space<vmem>>, vector<3x1280xf32>
    %mul3A_28 = arith.mulf %get3A_27, %get3A_27 : vector<3x1280xf32>
    %reduce_sum3A = arith.constant dense<0.000000e+00> : vector<1280xf32>
    %reduce_sum3A_29 = vector.multi_reduction <add>, %mul3A_28, %reduce_sum3A [0] : vector<3x1280xf32> to vector<1280xf32>
    %broadcast_in_dim3A = vector.shape_cast %reduce_sum3A_29 : vector<1280xf32> to vector<1x1280xf32>
    %sqrt3A = math.sqrt %broadcast_in_dim3A : vector<1x1280xf32>
    %iota3A = tpu.iota {dimensions = array<i32: 0>} : vector<20x1xi32>
    %add3A_30 = arith.constant 1 : i32
    %add3A_31 = vector.broadcast %add3A_30 : i32 to vector<20x1xi32>
    %add3A_32 = arith.addi %iota3A, %add3A_31 : vector<20x1xi32>
    %convert_element_type3A = arith.sitofp %add3A_32 : vector<20x1xi32> to vector<20x1xf32>
    %mul3A_33 = arith.constant 0.628318548 : f32
    %mul3A_34 = vector.broadcast %mul3A_33 : f32 to vector<20x1xf32>
    %mul3A_35 = arith.mulf %convert_element_type3A, %mul3A_34 : vector<20x1xf32>
    %mul3A_36 = vector.broadcast %mul3A_35 : vector<20x1xf32> to vector<20x1280xf32>
    %mul3A_37 = vector.broadcast %sqrt3A : vector<1x1280xf32> to vector<20x1280xf32>
    %mul3A_38 = arith.mulf %mul3A_36, %mul3A_37 : vector<20x1280xf32>
    %sin3A = math.sin %mul3A_38 : vector<20x1280xf32>
    %div3A = vector.broadcast %sqrt3A : vector<1x1280xf32> to vector<20x1280xf32>
    %div3A_39 = arith.divf %sin3A, %div3A : vector<20x1280xf32>
    %le3A = arith.constant 5.000000e+00 : f32
    %le3A_40 = vector.broadcast %le3A : f32 to vector<20x1280xf32>
    %le3A_41 = arith.cmpf ole, %div3A_39, %le3A_40 : vector<20x1280xf32>
    %mul3A_42 = arith.constant 0.628318548 : f32
    %mul3A_43 = vector.broadcast %mul3A_42 : f32 to vector<20x1280xf32>
    %mul3A_44 = arith.mulf %div3A_39, %mul3A_43 : vector<20x1280xf32>
    %cos3A = math.cos %mul3A_44 : vector<20x1280xf32>
    %add3A_45 = arith.constant 1.000000e+00 : f32
    %add3A_46 = vector.broadcast %add3A_45 : f32 to vector<20x1280xf32>
    %add3A_47 = arith.addf %cos3A, %add3A_46 : vector<20x1280xf32>
    %mul3A_48 = arith.constant 5.000000e-01 : f32
    %mul3A_49 = vector.broadcast %mul3A_48 : f32 to vector<20x1280xf32>
    %mul3A_50 = arith.mulf %mul3A_49, %add3A_47 : vector<20x1280xf32>
    %jit3A = arith.constant 0.000000e+00 : f32
    %broadcast_in_dim3A_51 = vector.broadcast %jit3A : f32 to vector<20x1280xf32>
    %select_n3A = arith.select %le3A_41, %mul3A_50, %broadcast_in_dim3A_51 : vector<20x1280xi1>, vector<20x1280xf32>
    %get3A_52 = arith.constant 0 : index
    %get3A_53 = arith.constant 0 : index
    %get3A_54 = vector.load %arg9[%get3A_52, %get3A_53] : memref<20x384xf32, #tpu.memory_space<vmem>>, vector<20x384xf32>
    %dot_general3A_55 = arith.constant dense<0.000000e+00> : vector<1280x384xf32>
    %dot_general3A_56 = tpu.matmul %select_n3A, %get3A_54, %dot_general3A_55 {dimension_numbers = #tpu.dot_dimension_numbers<[0], [0], [1], [1], [0, 1, 1, 1], [], []>, transpose_lhs_hint = false} : vector<20x1280xf32>, vector<20x384xf32>, vector<1280x384xf32> -> vector<1280x384xf32>
    %get3A_57 = arith.constant 0 : index
    %get3A_58 = arith.constant 0 : index
    %get3A_59 = vector.load %arg10[%get3A_57, %get3A_58] : memref<1x384xf32, #tpu.memory_space<vmem>>, vector<1x384xf32>
    %add3A_60 = vector.broadcast %get3A_59 : vector<1x384xf32> to vector<1280x384xf32>
    %add3A_61 = arith.addf %dot_general3A_56, %add3A_60 : vector<1280x384xf32>
    %transpose3A = tpu.transpose %get3A_27, [1, 0] : vector<3x1280xf32> -> vector<1280x3xf32>
    %mul3A_62 = arith.mulf %add3A_61, %add3A_24 : vector<1280x384xf32>
    %slice3A = vector.extract_strided_slice %mul3A_62 {offsets = [0, 0], sizes = [1280, 128], strides = [1, 1]} : vector<1280x384xf32> to vector<1280x128xf32>
    %slice3A_63 = vector.extract_strided_slice %mul3A_62 {offsets = [0, 128], sizes = [1280, 128], strides = [1, 1]} : vector<1280x384xf32> to vector<1280x128xf32>
    %slice3A_64 = vector.extract_strided_slice %mul3A_62 {offsets = [0, 256], sizes = [1280, 128], strides = [1, 1]} : vector<1280x384xf32> to vector<1280x128xf32>
    %get3A_65 = arith.constant 0 : index
    %get3A_66 = arith.constant 0 : index
    %get3A_67 = memref.load %arg1[%get3A_65, %get3A_66] : memref<1x1xf32, #tpu.memory_space<smem>>
    %get3A_68 = arith.constant 0 : index
    %get3A_69 = arith.constant 0 : index
    %get3A_70 = arith.constant 0 : index
    %get3A_71 = vector.load %arg4[%get3A_68, %get3A_69, %get3A_70] : memref<3x1280x128xf32, #tpu.memory_space<vmem>>, vector<1x1280x128xf32>
    %get3A_72 = vector.shape_cast %get3A_71 : vector<1x1280x128xf32> to vector<1280x128xf32>
    %mul3A_73 = arith.mulf %slice3A, %get3A_72 : vector<1280x128xf32>
    %slice3A_74 = vector.extract_strided_slice %transpose3A {offsets = [0, 0], sizes = [1280, 1], strides = [1, 1]} : vector<1280x3xf32> to vector<1280x1xf32>
    %mul3A_75 = vector.broadcast %get3A_67 : f32 to vector<1280x1xf32>
    %mul3A_76 = arith.mulf %slice3A_74, %mul3A_75 : vector<1280x1xf32>
    %mul3A_77 = vector.broadcast %mul3A_76 : vector<1280x1xf32> to vector<1280x128xf32>
    %mul3A_78 = arith.mulf %slice3A_64, %mul3A_77 : vector<1280x128xf32>
    %add3A_79 = arith.addf %mul3A_73, %mul3A_78 : vector<1280x128xf32>
    %swap3A = arith.constant 0 : index
    %swap3A_80 = arith.constant 0 : index
    %swap3A_81 = arith.constant 0 : index
    %swap3A_82 = vector.load %arg11[%swap3A, %swap3A_80, %swap3A_81] : memref<4x1280x128xf32, #tpu.memory_space<vmem>>, vector<1x1280x128xf32>
    %swap3A_83 = vector.shape_cast %swap3A_82 : vector<1x1280x128xf32> to vector<1280x128xf32>
    %swap3A_84 = vector.shape_cast %add3A_79 : vector<1280x128xf32> to vector<1x1280x128xf32>
    tpu.vector_store %arg11[%swap3A, %swap3A_80, %swap3A_81], %swap3A_84 {strides = array<i32>} : memref<4x1280x128xf32, #tpu.memory_space<vmem>>, vector<1x1280x128xf32>,
    %get3A_85 = arith.constant 1 : index
    %get3A_86 = arith.constant 0 : index
    %get3A_87 = arith.constant 0 : index
    %get3A_88 = vector.load %arg4[%get3A_85, %get3A_86, %get3A_87] : memref<3x1280x128xf32, #tpu.memory_space<vmem>>, vector<1x1280x128xf32>
    %get3A_89 = vector.shape_cast %get3A_88 : vector<1x1280x128xf32> to vector<1280x128xf32>
    %mul3A_90 = arith.mulf %slice3A, %get3A_89 : vector<1280x128xf32>
    %slice3A_91 = vector.extract_strided_slice %transpose3A {offsets = [0, 1], sizes = [1280, 1], strides = [1, 1]} : vector<1280x3xf32> to vector<1280x1xf32>
    %mul3A_92 = vector.broadcast %get3A_67 : f32 to vector<1280x1xf32>
    %mul3A_93 = arith.mulf %slice3A_91, %mul3A_92 : vector<1280x1xf32>
    %mul3A_94 = vector.broadcast %mul3A_93 : vector<1280x1xf32> to vector<1280x128xf32>
    %mul3A_95 = arith.mulf %slice3A_64, %mul3A_94 : vector<1280x128xf32>
    %add3A_96 = arith.addf %mul3A_90, %mul3A_95 : vector<1280x128xf32>
    %swap3A_97 = arith.constant 1 : index
    %swap3A_98 = arith.constant 0 : index
    %swap3A_99 = arith.constant 0 : index
    %swap3A_100 = vector.load %arg11[%swap3A_97, %swap3A_98, %swap3A_99] : memref<4x1280x128xf32, #tpu.memory_space<vmem>>, vector<1x1280x128xf32>
    %swap3A_101 = vector.shape_cast %swap3A_100 : vector<1x1280x128xf32> to vector<1280x128xf32>
    %swap3A_102 = vector.shape_cast %add3A_96 : vector<1280x128xf32> to vector<1x1280x128xf32>
    tpu.vector_store %arg11[%swap3A_97, %swap3A_98, %swap3A_99], %swap3A_102 {strides = array<i32>} : memref<4x1280x128xf32, #tpu.memory_space<vmem>>, vector<1x1280x128xf32>,
    %get3A_103 = arith.constant 2 : index
    %get3A_104 = arith.constant 0 : index
    %get3A_105 = arith.constant 0 : index
    %get3A_106 = vector.load %arg4[%get3A_103, %get3A_104, %get3A_105] : memref<3x1280x128xf32, #tpu.memory_space<vmem>>, vector<1x1280x128xf32>
    %get3A_107 = vector.shape_cast %get3A_106 : vector<1x1280x128xf32> to vector<1280x128xf32>
    %mul3A_108 = arith.mulf %slice3A, %get3A_107 : vector<1280x128xf32>
    %slice3A_109 = vector.extract_strided_slice %transpose3A {offsets = [0, 2], sizes = [1280, 1], strides = [1, 1]} : vector<1280x3xf32> to vector<1280x1xf32>
    %mul3A_110 = vector.broadcast %get3A_67 : f32 to vector<1280x1xf32>
    %mul3A_111 = arith.mulf %slice3A_109, %mul3A_110 : vector<1280x1xf32>
    %mul3A_112 = vector.broadcast %mul3A_111 : vector<1280x1xf32> to vector<1280x128xf32>
    %mul3A_113 = arith.mulf %slice3A_64, %mul3A_112 : vector<1280x128xf32>
    %add3A_114 = arith.addf %mul3A_108, %mul3A_113 : vector<1280x128xf32>
    %swap3A_115 = arith.constant 2 : index
    %swap3A_116 = arith.constant 0 : index
    %swap3A_117 = arith.constant 0 : index
    %swap3A_118 = vector.load %arg11[%swap3A_115, %swap3A_116, %swap3A_117] : memref<4x1280x128xf32, #tpu.memory_space<vmem>>, vector<1x1280x128xf32>
    %swap3A_119 = vector.shape_cast %swap3A_118 : vector<1x1280x128xf32> to vector<1280x128xf32>
    %swap3A_120 = vector.shape_cast %add3A_114 : vector<1280x128xf32> to vector<1x1280x128xf32>
    tpu.vector_store %arg11[%swap3A_115, %swap3A_116, %swap3A_117], %swap3A_120 {strides = array<i32>} : memref<4x1280x128xf32, #tpu.memory_space<vmem>>, vector<1x1280x128xf32>,
    %swap3A_121 = arith.constant 3 : index
    %swap3A_122 = arith.constant 0 : index
    %swap3A_123 = arith.constant 0 : index
    %swap3A_124 = vector.load %arg11[%swap3A_121, %swap3A_122, %swap3A_123] : memref<4x1280x128xf32, #tpu.memory_space<vmem>>, vector<1x1280x128xf32>
    %swap3A_125 = vector.shape_cast %swap3A_124 : vector<1x1280x128xf32> to vector<1280x128xf32>
    %swap3A_126 = vector.shape_cast %slice3A_63 : vector<1280x128xf32> to vector<1x1280x128xf32>
    tpu.vector_store %arg11[%swap3A_121, %swap3A_122, %swap3A_123], %swap3A_126 {strides = array<i32>} : memref<4x1280x128xf32, #tpu.memory_space<vmem>>, vector<1x1280x128xf32>,
    return
  }
  func.func @transform_0(%arg0: i32) -> (i32, i32) {
    %c0_i32 = arith.constant 0 : i32
    %c0_i32_0 = arith.constant 0 : i32
    %c0_i32_1 = arith.constant 0 : i32
    return %c0_i32, %c0_i32_0 : i32, i32
  }
  func.func @transform_1(%arg0: i32) -> (i32, i32) {
    %min3A = arith.constant 124 : i32
    %min3A_0 = arith.minsi %arg0, %min3A : i32
    %c0_i32 = arith.constant 0 : i32
    %c0_i32_1 = arith.constant 0 : i32
    return %min3A_0, %c0_i32 : i32, i32
  }
  func.func @transform_2(%arg0: i32) -> (i32, i32) {
    %min3A = arith.constant 124 : i32
    %min3A_0 = arith.minsi %arg0, %min3A : i32
    %c0_i32 = arith.constant 0 : i32
    %c0_i32_1 = arith.constant 0 : i32
    return %c0_i32, %min3A_0 : i32, i32
  }
  func.func @transform_3(%arg0: i32) -> (i32, i32, i32) {
    %min3A = arith.constant 124 : i32
    %min3A_0 = arith.minsi %arg0, %min3A : i32
    %c0_i32 = arith.constant 0 : i32
    %c0_i32_1 = arith.constant 0 : i32
    %c0_i32_2 = arith.constant 0 : i32
    return %c0_i32, %min3A_0, %c0_i32_1 : i32, i32, i32
  }
  func.func @transform_4(%arg0: i32) -> (i32, i32) {
    %c0_i32 = arith.constant 0 : i32
    %c0_i32_0 = arith.constant 0 : i32
    %c0_i32_1 = arith.constant 0 : i32
    return %c0_i32, %c0_i32_0 : i32, i32
  }
  func.func @transform_5(%arg0: i32) -> (i32, i32) {
    %c0_i32 = arith.constant 0 : i32
    %c0_i32_0 = arith.constant 0 : i32
    %c0_i32_1 = arith.constant 0 : i32
    return %c0_i32, %c0_i32_0 : i32, i32
  }
  func.func @transform_6(%arg0: i32) -> (i32, i32) {
    %c0_i32 = arith.constant 0 : i32
    %c0_i32_0 = arith.constant 0 : i32
    %c0_i32_1 = arith.constant 0 : i32
    return %c0_i32, %c0_i32_0 : i32, i32
  }
  func.func @transform_7(%arg0: i32) -> (i32, i32) {
    %c0_i32 = arith.constant 0 : i32
    %c0_i32_0 = arith.constant 0 : i32
    %c0_i32_1 = arith.constant 0 : i32
    return %c0_i32, %c0_i32_0 : i32, i32
  }
  func.func @transform_8(%arg0: i32) -> (i32, i32) {
    %c0_i32 = arith.constant 0 : i32
    %c0_i32_0 = arith.constant 0 : i32
    %c0_i32_1 = arith.constant 0 : i32
    return %c0_i32, %c0_i32_0 : i32, i32
  }
  func.func @transform_9(%arg0: i32) -> (i32, i32) {
    %c0_i32 = arith.constant 0 : i32
    %c0_i32_0 = arith.constant 0 : i32
    %c0_i32_1 = arith.constant 0 : i32
    return %c0_i32, %c0_i32_0 : i32, i32
  }
  func.func @transform_10(%arg0: i32) -> (i32, i32, i32) {
    %c0_i32 = arith.constant 0 : i32
    %c0_i32_0 = arith.constant 0 : i32
    %c0_i32_1 = arith.constant 0 : i32
    return %c0_i32, %arg0, %c0_i32_0 : i32, i32, i32
  }
}

</mosaic_0001>

<sc_bundles>
// kernel: kernel.5.cloned.1.call-start
scs
__scs_entry_jumppad:
0x0: {  	(pc) =	sbr.rel $0x88, $3  }
0x1: {  	(tag) =	ssettag $0x0;
	lr =	simm.s32 $0x1  }
0x2: {  	[smem:$0x3F97] =	sst lr;
	_ =	strace $0xD0000000  }
0x3: {  	_ = 	snop  }
0x4: {  	_ = 	snop  }
0x5: {  	_ = 	snop  }
0x6: {  	_ = 	snop  }
0x7: {  	_ = 	snop  }
__scs_overlays_trampoline_lowered:
0x8: {  	[smem:$0x3FA6] =	sst s0  }
0x9: {  	[smem:$0x3FA7] =	sst s1  }
0xa: {  	[smem:$0x3FA8] =	sst s2  }
0xb: {  	[smem:$0x3FA9] =	sst s3  }
0xc: {  	[smem:$0x3FAA] =	sst s4  }
0xd: {  	[smem:$0x3FAB] =	sst s5  }
0xe: {  	[smem:$0x3FAC] =	sst s6  }
0xf: {  	[smem:$0x3FAD] =	sst s7  }
0x10: {  	[smem:$0x3FAE] =	sst s8  }
0x11: {  	[smem:$0x3FAF] =	sst s9;
	s0 =	simm.s32 @!p0 $0x0  }
0x12: {  	s1 =	sld [smem:$0x3F95];
	s0 =	simm.s32 @p0 $0x1  }
0x13: {  	[smem:$0x3FB0] =	sst s0;
	s0 =	simm.s32 @!p1 $0x0  }
0x14: {  	s2 =	sld [smem:$0x3F94];
	s0 =	simm.s32 @p1 $0x1  }
0x15: {  	[smem:$0x3FB1] =	sst s0;
	s0 =	simm.s32 @!p2 $0x0  }
0x16: {  	s3 =	sld [smem:$0x3FDB];
	s0 =	simm.s32 @p2 $0x1  }
0x17: {  	s4 =	simm.s32 $0x1BF5;
	[smem:$0x3FB3] =	sst s0  }
0x18: {  	s0 =	sld [smem:$0x3F96];
	_ =	swait.ge [sflag:s4], $0x0  }
0x19: {  	s7 =	sld [smem:$0x3F97]  }
0x1a: {  	s8 =	sadd.s32 $0xFFFFE003, lr  }
0x1b: {  	s9 =	sadd.s32 $0xFFFFFEF7, lr;
	s5 =	simm.s32 $0xFFFFFFFF;
	p2 =	slt.u32 s8, $0xFFFFF086  }
0x1c: {  	p1 =	slt.u32 s9, $0xF7A;
	s5 =	simm.s32 @!p2 $0x0  }
0x1d: {  	s5 =	simm.s32 @p1 $0x1;
	p0 =	seq.s32 s7, s2  }
0x1e: {  	s7 =	smul.u32 @!p0 $0xF7A, s2;
	p2 =	seq.s32 @!p0 s5, $0x0  }
0x1f: {  	s9 =	smul.u32 $0xF7A, s1;
	s8 =	simm.s32 @!p0 $0x1BF5;
	p2 =	por !p2, p0  }
0x20: {  	[sflag:s8] =	ssyncset.s32 @!p0 $0xFFFFF086;
	s6 =	sadd.s32 @!p0 s3, s7;
	s7 =	simm.s32 @!p0 $0x108  }
0x21: {  	s3 =	sadd.s32 s3, s9;
	s6 =	sadd.s32 @!p0 $0x88, s6;
	s7 =	simm.s32 @p2 $0x1082  }
0x22: {  	[simem:s7], [sflag:s8] =	dma.local @!p0 [hbm:s6], $0xF7A  }
0x23: {  	s9 =	sor.u32 $0xD0000000, s2;
	s6 =	simm.s32 $0x108;
	_ =	swait.ge @!p0 [sflag:s8], $0x0  }
0x24: {  	s3 =	sadd.s32 $0x88, s3;
	s6 =	simm.s32 @!p1 $0x1082;
	[sflag:s4] =	ssyncset.s32 $0xFFFFF086  }
0x25: {  	[simem:s6], [sflag:s4] =	dma.local [hbm:s3], $0xF7A  }
0x26: {  	[smem:$0x3F97] =	sst s1;
	(tag) =	ssettag s2;
	_ =	strace s9  }
0x27: {  	s1 =	sld [smem:$0x3FA7]  }
0x28: {  	s2 =	sld [smem:$0x3FA8]  }
0x29: {  	s4 =	sld [smem:$0x3FAA]  }
0x2a: {  	p0 =	seq.s32 s5, $0x0;
	s5 =	sld [smem:$0x3FAB]  }
0x2b: {  	s6 =	sld [smem:$0x3FAC]  }
0x2c: {  	s7 =	sld [smem:$0x3FAD]  }
0x2d: {  	s3 =	simm.s32 $0x108;
	s8 =	sld [smem:$0x3FAE]  }
0x2e: {  	s3 =	simm.s32 @!p0 $0x1082;
	s9 =	sld [smem:$0x3FAF]  }
0x2f: {  	lr =	sadd.s32 s0, s3;
	s0 =	sld [smem:$0x3FA6]  }
0x30: {  	s3 =	sld [smem:$0x3FA9]  }
0x31: {  	[smem:$0x3FB2] =	sst s10  }
0x32: {  	s10 =	sld [smem:$0x3FB0];
	_ =	sdelay $0x3  }
0x33: {  	p0 =	seq.s32 s10, $0x1;
	s10 =	sld [smem:$0x3FB2];
	_ =	sdelay $0x3  }
0x34: {  	[smem:$0x3FB2] =	sst s10  }
0x35: {  	s10 =	sld [smem:$0x3FB1];
	_ =	sdelay $0x3  }
0x36: {  	p1 =	seq.s32 s10, $0x1;
	s10 =	sld [smem:$0x3FB2];
	_ =	sdelay $0x3  }
0x37: {  	[smem:$0x3FB2] =	sst s10  }
0x38: {  	s10 =	sld [smem:$0x3FB3]  }
0x39: {  	_ = 	snop;
	(pc) =	sbr.ind lr, $3  }
0x3a: {  	_ = 	snop  }
0x3b: {  	_ = 	snop  }
0x3c: {  	p2 =	seq.s32 s10, $0x1;
	s10 =	sld [smem:$0x3FB2]  }
0x3d: {  	_ =	shalt  }
0x3e: {  	_ =	shalt  }
0x3f: {  	_ =	shalt  }
0x40: {  	_ =	shalt  }
0x41: {  	_ =	shalt  }
0x42: {  	_ =	shalt  }
0x43: {  	_ =	shalt  }
0x44: {  	_ =	shalt  }
0x45: {  	_ =	shalt  }
0x46: {  	_ =	shalt  }
0x47: {  	_ =	shalt  }
0x48: {  	_ =	shalt  }
0x49: {  	_ =	shalt  }
0x4a: {  	_ =	shalt  }
0x4b: {  	_ =	shalt  }
0x4c: {  	_ =	shalt  }
0x4d: {  	_ =	shalt  }
0x4e: {  	_ =	shalt  }
0x4f: {  	_ =	shalt  }
0x50: {  	_ =	shalt  }
0x51: {  	_ =	shalt  }
0x52: {  	_ =	shalt  }
0x53: {  	_ =	shalt  }
0x54: {  	_ =	shalt  }
0x55: {  	_ =	shalt  }
0x56: {  	_ =	shalt  }
0x57: {  	_ =	shalt  }
0x58: {  	_ =	shalt  }
0x59: {  	_ =	shalt  }
0x5a: {  	_ =	shalt  }
0x5b: {  	_ =	shalt  }
0x5c: {  	_ =	shalt  }
0x5d: {  	_ =	shalt  }
0x5e: {  	_ =	shalt  }
0x5f: {  	_ =	shalt  }
0x60: {  	_ =	shalt  }
0x61: {  	_ =	shalt  }
0x62: {  	_ =	shalt  }
0x63: {  	_ =	shalt  }
0x64: {  	_ =	shalt  }
0x65: {  	_ =	shalt  }
0x66: {  	_ =	shalt  }
0x67: {  	_ =	shalt  }
0x68: {  	_ =	shalt  }
0x69: {  	_ =	shalt  }
0x6a: {  	_ =	shalt  }
0x6b: {  	_ =	shalt  }
0x6c: {  	_ =	shalt  }
0x6d: {  	_ =	shalt  }
0x6e: {  	_ =	shalt  }
0x6f: {  	_ =	shalt  }
0x70: {  	_ =	shalt  }
0x71: {  	_ =	shalt  }
0x72: {  	_ =	shalt  }
0x73: {  	_ =	shalt  }
0x74: {  	_ =	shalt  }
0x75: {  	_ =	shalt  }
0x76: {  	_ =	shalt  }
0x77: {  	_ =	shalt  }
0x78: {  	_ =	shalt  }
0x79: {  	_ =	shalt  }
0x7a: {  	_ =	shalt  }
0x7b: {  	_ =	shalt  }
0x7c: {  	_ =	shalt  }
0x7d: {  	_ =	shalt  }
0x7e: {  	_ =	shalt  }
0x7f: {  	_ =	shalt  }
0x80: {  	_ =	shalt  }
0x81: {  	_ =	shalt  }
0x82: {  	_ =	shalt  }
0x83: {  	_ =	shalt  }
0x84: {  	_ =	shalt  }
0x85: {  	_ =	shalt  }
0x86: {  	_ =	shalt  }
0x87: {  	_ =	shalt  }
.Lfunc_end0:
.L_simem_size_0:
called_computation_lowered:
.L_overlay_start_0:
0x88: {  	s2 =	sld [smem:$0x3FD9]  }
0x89: {  	s3 =	sld [smem:$0x3FFE];
	_ =	sdelay $0x1  }
0x8a: {  	s1 =	srdreg.scid  }
0x8b: {  	s0 =	sand.u32 $0x1, s1  }
0x8c: {  	s14 =	sshll.u32 s0, $0xA;
	s2 =	sadd.s32 s3, s2  }
0x8d: {  	s2 =	sadd.s32 s2, s14  }
0x8e: {  	[smem:$0x3FBE] =	sst s2  }
0x8f: {  	_ = 	snop  }
0x90: {  	s2 =	sld [smem:$0x3FD0];
	_ =	sdelay $0x2  }
0x91: {  	s15 =	simm.s32 $0xA;
	s4 =	simm.s32 $0x10  }
0x92: {  	[smem:s4], [sflag:s15] =	dma.local [hbm:s2], $0x1  }
0x93: {  	_ =	swait.eq [sflag:s15], $0x1  }
0x94: {  	[sflag:s15] =	ssyncset.done $0x0  }
0x95: {  	s16 =	sld [smem:$0x10];
	[sflag:s15] =	ssyncadd.s32 $0xFFFFFFFF  }
0x96: {  	s17 =	sld [smem:$0x11];
	(tm) =	ssettm $0x1  }
0x97: {  	s18 =	sld [smem:$0x3FFB];
	_ =	sdelay $0x3  }
0x98: {  	_ =	strace s18  }
0x99: {  	s4 =	sld [smem:$0x3FFC];
	_ =	sdelay $0x3  }
0x9a: {  	_ =	strace s4  }
0x9b: {  	s4 =	sld [smem:$0x3FFD];
	_ =	sdelay $0x3  }
0x9c: {  	_ =	strace s4  }
0x9d: {  	_ =	strace $0x8FFFFFFF  }
0x9e: {  	s19 =	sld [smem:$0x3FDB];
	_ =	sdelay $0x1  }
0x9f: {  	s5 =	simm.s32 $_scs_section_size  }
0xa0: {  	s6 =	simm.s32 $_size__tile_overlayer_lowered;
	s7 =	simm.s32 $_tile_overlayer_lowered  }
0xa1: {  	s22 =	simm.s32 $0x1BFF;
	s21 =	sshll.u32 s7, $0x1;
	s4 =	sadd.s32 s5, s19  }
0xa2: {  	s8 =	simm.s32 $0x0;
	s20 =	sshll.u32 s6, $0x1;
	s6 =	sadd.s32 s21, s4  }
0xa3: {  	[timem:s8], [sflag:s22] =	dma.local [hbm:s6], s20  }
0xa4: {  	_ =	swait.ge [sflag:s22], s20  }
0xa5: {  	s5 =	ssub.s32 $0x0, s20;
	[sflag:s22] =	ssyncset.done $0x0  }
0xa6: {  	[sflag:s22] =	ssyncadd.s32 s5;
	_ =	sdelay $0x1  }
0xa7: {  	s23 =	simm.s32 $0x1B8B  }
0xa8: {  	_ =	swait.ge [sflag:s23], $0x1  }
0xa9: {  	[sflag:s23] =	ssyncset.done $0x0  }
0xaa: {  	s25 =	simm.s32 $0x1B8E;
	s24 =	sld [smem:$0x3FFE];
	[sflag:s23] =	ssyncadd.s32 $0xFFFFFFFF  }
0xab: {  	s26 =	simm.s32 $execute0_lowered;
	[smem:$0x3FD2] =	sst s25  }
0xac: {  	s6 =	sshll.u32 s26, $0x1;
	_ =	strace $0x80000046;
	[dreg:$0x1] =	wrdreg $0xFFFFFFFF  }
0xad: {  	s28 =	simm.s32 $_size_execute0_lowered;
	s4 =	sadd.s32 s4, s6;
	[dreg:$0x0] =	wrdreg $0x0  }
0xae: {  	s6 =	sshll.u32 s28, $0x1;
	[dreg:$0x2] =	wrdreg s4  }
0xaf: {  	[dreg:$0x3] =	wrdreg s6  }
0xb0: {  	[dreg:$0x4] =	wrdreg $0xC0  }
0xb1: {  	_ =	task [dreg:s8], $0x5FFFF  }
0xb2: {  	[dreg:$0x1] =	wrdreg $0xFFFFFFFF  }
0xb3: {  	[dreg:$0x0] =	wrdreg $0x60  }
0xb4: {  	[dreg:$0x2] =	wrdreg s24  }
0xb5: {  	[dreg:$0x3] =	wrdreg s16  }
0xb6: {  	[dreg:$0x4] =	wrdreg s17  }
0xb7: {  	[dreg:$0x5] =	wrdreg $0xA8000  }
0xb8: {  	[dreg:$0x6] =	wrdreg $0x9  }
0xb9: {  	_ =	task.clear_ibuf [dreg:s8], $0x7FFFF;
	_ =	strace $0x90000046  }
0xba: {  	s29 =	simm.s32 $0x9;
	_ =	strace $0x80000048  }
0xbb: {  	_ =	swait.ge [sflag:s29], $0x1  }
0xbc: {  	[sflag:s29] =	ssyncadd.s32 $0xFFFFFFFF  }
0xbd: {  	_ =	strace $0x90000048  }
0xbe: {  	_ =	sfence  }
0xbf: {  	s30 =	sld [smem:$0x0];
	_ =	sdelay $0x2  }
0xc0: {  	s31 =	sshll.u32 s1, $0xD;
	s1 =	sshrl.u32 s1, $0x2  }
0xc1: {  	s3 =	sand.u32 $0x4000, s31;
	s1 =	sadd.s32 s1, s30  }
0xc2: {  	s0 =	sor.u32 s3, s0;
	s1 =	sshll.u32 s1, $0x11  }
0xc3: {  	s0 =	sor.u32 s1, s0  }
0xc4: {  	s0 =	sadd.s32 $0x8F2B, s0  }
0xc5: {  	[sflag:s0] =	ssyncadd.remote.s32 $0x1  }
0xc6: {  	_ =	sfence.sel $0xFFFF  }
0xc7: {  	[dreg:$0x0] =	wrdreg $0xFFFFFFFF;
	(pc) =	sbr.abs _section_cstart, $3  }
0xc8: {  	[dreg:$0x1] =	wrdreg $0xFFFFFFFF  }
0xc9: {  	_ =	task.clear_ibuf [dreg:s8], $0x2FFFF;
	_ =	strace $0x9FFFFFFF  }
0xca: {  	(tm) =	ssettm $0x7FFFFFFF  }
0xcb: {  	_ =	shalt  }
tec
execute0_lowered:
.L_overlay_start_1:
0x0: {  	(tag) =	ssettag $0x1  }
0x1: {  	s0 =	rddreg [dreg:$0x0]  }
0x2: {  	s1 =	rddreg [dreg:$0x1]  }
0x3: {  	s5 =	rddreg [dreg:$0x2]  }
0x4: {  	s2 =	rddreg [dreg:$0x3];
	s3 =	simm.s32 $0x0;
	s15 =	stileid.u32  }
0x5: {  	s4 =	srdreg.scid;
	s18 =	simm.s32 $0x2800;
	s19 =	simm.s32 $0x6800  }
0x6: {  	s28 =	simm.s32 $0x2700;
	s29 =	simm.s32 $0x2780;
	s6 =	smul.u32 $0x500, s15  }
0x7: {  	s30 =	simm.s32 $0x0;
	[smem:$0x7FF] =	sst s3;
	s9 =	smul.u32 $0x278, s15  }
0x8: {  	s21 =	sand.u32 $0x1, s4;
	s10 =	sadd.s32 $0x6200, s0;
	s11 =	smul.u32 $0x4F000, s15  }
0x9: {  	s4 =	sadd.s32 $0xA06200, s0;
	s12 =	smul.u32 $0x140000, s15;
	s31 =	sshll.u32 s15, $0x6  }
0xa: {  	_ =	strace $0x80000047;
	s7 =	ssub.s32 $0x2, s21;
	s22 =	smul.u32 $0x500000, s21  }
0xb: {  	s24 =	smul.u32 $0x4E200, s21;
	s13 =	sshllo.u32 s21, $0x1;
	s16 =	sor.u32 $0x1C03, s31  }
0xc: {  	p0 =	sne.s32 s21, $0x0;
	s21 =	simm.s32 $0x80;
	s6 =	sadd.s32 s6, s0  }
0xd: {  	s8 =	sshrl.u32 s7, $0x1;
	s23 =	sshrl.u32 s11, $0x2;
	s25 =	smul.u32 $0x280000, s13  }
0xe: {  	s9 =	smin.u32 s9, $0x2498;
	s13 =	smul.u32 $0x27100, s13;
	s26 =	sshrl.u32 s12, $0x3  }
0xf: {  	s20 =	ssub.s32 s7, s8;
	s6 =	sadd.s32 $0x1200, s6;
	s17 =	sadd.s32 s23, s2  }
0x10: {  	s7 =	sadd.s32 s10, s22;
	s22 =	sadd.s32 s1, s24;
	s14 =	sshll.u32 s9, $0x7  }
0x11: {  	s23 =	sshll.u32 s9, $0x4;
	s12 =	sadd.s32 $0x27800, s26;
	s24 =	simm.s32 $0x2  }
0x12: {  	[dreg:$0x5] =	wrdreg s6;
	s6 =	smul.u32 $0x28000, s15;
	s9 =	sadd.s32 s14, s2  }
0x13: {  	s10 =	sadd.s32 s10, s25;
	s5 =	sadd.s32 s5, s23;
	s1 =	sadd.s32 s1, s13  }
0x14: {  	s11 =	smax.u32 s20, $0x1;
	s13 =	sadd.s32 $0x27000, s26;
	s15 =	simm.s32 $0x3  }
0x15: {  	s17 =	sshrl.u32 s17, $0x3;
	s20 =	simm.s32 $0x1;
	s22 =	sadd.s32 s23, s22  }
0x16: {  	s25 =	simm.s32 $0x2600;
	s26 =	simm.s32 $0x2680;
	s23 =	sadd.s32 @!p0 s23, s1  }
0x17: {  	s8 =	sor.u32 $0x800, s6;
	s14 =	sor.u32 $0x1000, s6;
	s23 =	smov.u32 @p0 s5  }
.LBB2_1:
0x18: {  	s0 =	rddreg [dreg:$0x5]  }
0x19: {  	[tilespmem:s3], [sflag:$0x3] =	stream.linear.gather [hbm4b:s0+s3], $0x2800, $0x38;
	[tilespmem:$0x1E400] =	vst v63  }
0x1a: {  	_ =	swait.ge [sflag:s15], $0x2800  }
0x1b: {  	[sflag:s15] =	ssyncset.done $0x0  }
0x1c: {  	[sflag:s15] =	ssyncadd.s32 $0xFFFFD800  }
0x1d: {  	[spmem:s17], [sflag:s16] =	dma.local [hbm:s4], $0x2780  }
0x1e: {  	_ =	swait.ge [sflag:s15], $0x2780  }
0x1f: {  	[sflag:s15] =	ssyncset.done $0x0  }
0x20: {  	[sflag:s15] =	ssyncadd.s32 $0xFFFFD880  }
0x21: {  	s1 =	sadd.s32 s6, s7;
	[bflag:$0x0] =	sbarrier.arrive $0xFFFF  }
0x22: {  	[tilespmem:s18], [sflag:$0x1] =	stream.linear.gather [hbm4b:s1+s3], $0x4000, $0x38;
	[tilespmem:$0x1E400] =	vst v63  }
0x23: {  	s5 =	sadd.s32 s8, s7  }
0x24: {  	[tilespmem:s19], [sflag:$0x2] =	stream.linear.gather [hbm4b:s5+s3], $0x4000, $0x38;
	[tilespmem:$0x1E400] =	vst v63  }
0x25: {  	_ =	swait.ge [sflag:s20], $0x4000  }
0x26: {  	[sflag:s20] =	ssyncset.done $0x0  }
0x27: {  	s1 =	simm.s32 $0x0;
	[sflag:s20] =	ssyncadd.s32 $0xFFFFC000  }
0x28: {  	[spmem:s2] =	stream.indirect.scatter.add.f32 [tilespmem:s18], [sflag:$0x3], $0x80, s1, s21, $0xb8;
	[tilespmem:$0x1E400] =	vst v63  }
0x29: {  	_ =	swait.ge [sflag:s15], $0x4000  }
0x2a: {  	[sflag:s15] =	ssyncset.done $0x0  }
0x2b: {  	s5 =	sadd.s32 s7, s14;
	[sflag:s15] =	ssyncadd.s32 $0xFFFFC000  }
0x2c: {  	[tilespmem:s18], [sflag:$0x1] =	stream.linear.gather [hbm4b:s5+s3], $0x4000, $0x38;
	[tilespmem:$0x1E400] =	vst v63  }
0x2d: {  	_ =	swait.ge [sflag:s24], $0x4000  }
0x2e: {  	[sflag:s24] =	ssyncset.done $0x0  }
0x2f: {  	s1 =	simm.s32 $0x80;
	[sflag:s24] =	ssyncadd.s32 $0xFFFFC000  }
0x30: {  	[spmem:s2] =	stream.indirect.scatter.add.f32 [tilespmem:s19], [sflag:$0x3], $0x80, s1, s21, $0xb8;
	[tilespmem:$0x1E400] =	vst v63  }
0x31: {  	_ =	swait.ge [sflag:s15], $0x4000  }
0x32: {  	s31 =	simm.s32 $0x400;
	[sflag:s15] =	ssyncset.done $0x0  }
0x33: {  	s0 =	sadd.s32 $0x1000, s5;
	s1 =	sadd.s32 $0x800, s5;
	[sflag:s15] =	ssyncadd.s32 $0xFFFFC000  }
.LBB2_2:
0x34: {  	[tilespmem:s19], [sflag:$0x2] =	stream.linear.gather [hbm4b:s1+s3], $0x4000, $0x38;
	[tilespmem:$0x1E400] =	vst v63  }
0x35: {  	s1 =	smov.u32 s31  }
0x36: {  	p0 =	sne.s32 s31, $0x9400;
	s31 =	sadd.s32 $0x400, s31;
	_ =	swait.ge [sflag:s20], $0x4000  }
0x37: {  	[sflag:s20] =	ssyncset.done $0x0  }
0x38: {  	s1 =	sshra.s32 s1, $0x2;
	[sflag:s20] =	ssyncadd.s32 $0xFFFFC000  }
0x39: {  	[spmem:s2] =	stream.indirect.scatter.add.f32 [tilespmem:s18], [sflag:$0x3], $0x80, s1, s21, $0xb8;
	[tilespmem:$0x1E400] =	vst v63  }
0x3a: {  	_ =	swait.ge [sflag:s15], $0x4000  }
0x3b: {  	[sflag:s15] =	ssyncset.done $0x0  }
0x3c: {  	[sflag:s15] =	ssyncadd.s32 $0xFFFFC000  }
0x3d: {  	[tilespmem:s18], [sflag:$0x1] =	stream.linear.gather [hbm4b:s0+s3], $0x4000, $0x38;
	[tilespmem:$0x1E400] =	vst v63  }
0x3e: {  	_ =	swait.ge [sflag:s24], $0x4000  }
0x3f: {  	[sflag:s24] =	ssyncset.done $0x0  }
.Ltmp0:
0x40: {  	s1 =	sadd.s32 $0x80, s1;
	[sflag:s24] =	ssyncadd.s32 $0xFFFFC000;
	(pc) =	sbr.rel @p0 .LBB2_2-.Ltmp0, $4  }
0x41: {  	[spmem:s2] =	stream.indirect.scatter.add.f32 [tilespmem:s19], [sflag:$0x3], $0x80, s1, s21, $0xb8;
	[tilespmem:$0x1E400] =	vst v63  }
0x42: {  	_ =	swait.ge [sflag:s15], $0x4000  }
0x43: {  	[sflag:s15] =	ssyncset.done $0x0  }
0x44: {  	s1 =	sadd.s32 $0x800, s0;
	s0 =	sadd.s32 $0x1000, s0;
	[sflag:s15] =	ssyncadd.s32 $0xFFFFC000  }
0x45: {  	[tilespmem:s19], [sflag:$0x2] =	stream.linear.gather [hbm4b:s1+s3], $0x4000, $0x38;
	[tilespmem:$0x1E400] =	vst v63  }
0x46: {  	_ =	swait.ge [sflag:s20], $0x4000  }
0x47: {  	[sflag:s20] =	ssyncset.done $0x0  }
0x48: {  	[sflag:s20] =	ssyncadd.s32 $0xFFFFC000  }
0x49: {  	[spmem:s2] =	stream.indirect.scatter.add.f32 [tilespmem:s18], [sflag:$0x3], $0x80, s25, s21, $0xb8;
	[tilespmem:$0x1E400] =	vst v63  }
0x4a: {  	_ =	swait.ge [sflag:s15], $0x4000  }
0x4b: {  	[sflag:s15] =	ssyncset.done $0x0  }
0x4c: {  	s0 =	sadd.s32 s7, s13;
	s1 =	simm.s32 $0x0;
	[sflag:s15] =	ssyncadd.s32 $0xFFFFC000  }
0x4d: {  	[tilespmem:s18], [sflag:$0x1] =	stream.linear.gather [hbm4b:s0+s1], $0x4000, $0x38;
	[tilespmem:$0x1E400] =	vst v63  }
0x4e: {  	_ =	swait.ge [sflag:s24], $0x4000  }
0x4f: {  	[sflag:s24] =	ssyncset.done $0x0  }
0x50: {  	[sflag:s24] =	ssyncadd.s32 $0xFFFFC000  }
0x51: {  	[spmem:s2] =	stream.indirect.scatter.add.f32 [tilespmem:s19], [sflag:$0x3], $0x80, s26, s21, $0xb8;
	[tilespmem:$0x1E400] =	vst v63  }
0x52: {  	_ =	swait.ge [sflag:s15], $0x4000  }
0x53: {  	[sflag:s15] =	ssyncset.done $0x0  }
0x54: {  	s5 =	sadd.s32 s7, s12;
	[sflag:s15] =	ssyncadd.s32 $0xFFFFC000  }
0x55: {  	[tilespmem:s19], [sflag:$0x2] =	stream.linear.gather [hbm4b:s5+s1], $0x4000, $0x38;
	[tilespmem:$0x1E400] =	vst v63  }
0x56: {  	_ =	swait.ge [sflag:s20], $0x4000  }
0x57: {  	[sflag:s20] =	ssyncset.done $0x0  }
0x58: {  	[sflag:s20] =	ssyncadd.s32 $0xFFFFC000  }
0x59: {  	[spmem:s2] =	stream.indirect.scatter.add.f32 [tilespmem:s18], [sflag:$0x3], $0x80, s28, s21, $0xb8;
	[tilespmem:$0x1E400] =	vst v63  }
0x5a: {  	_ =	swait.ge [sflag:s15], $0x4000  }
0x5b: {  	[sflag:s15] =	ssyncset.done $0x0  }
0x5c: {  	[sflag:s15] =	ssyncadd.s32 $0xFFFFC000  }
0x5d: {  	[tilespmem:s18], [sflag:$0x1] =	stream.linear.gather [hbm4b:s5+s1], $0x4000, $0x38;
	[tilespmem:$0x1E400] =	vst v63  }
0x5e: {  	_ =	swait.ge [sflag:s24], $0x4000  }
0x5f: {  	[sflag:s24] =	ssyncset.done $0x0  }
0x60: {  	[sflag:s24] =	ssyncadd.s32 $0xFFFFC000  }
0x61: {  	[spmem:s2] =	stream.indirect.scatter.add.f32 [tilespmem:s19], [sflag:$0x3], $0x80, s29, s21, $0xb8;
	[tilespmem:$0x1E400] =	vst v63  }
0x62: {  	_ =	swait.ge [sflag:s15], $0x4000  }
0x63: {  	[sflag:s15] =	ssyncset.done $0x0  }
0x64: {  	[sflag:s15] =	ssyncadd.s32 $0xFFFFC000  }
0x65: {  	[tilespmem:s19], [sflag:$0x2] =	stream.linear.gather [hbm4b:s5+s1], $0x4000, $0x38;
	[tilespmem:$0x1E400] =	vst v63  }
0x66: {  	_ =	swait.ge [sflag:s20], $0x4000  }
0x67: {  	[sflag:s20] =	ssyncset.done $0x0  }
0x68: {  	[sflag:s20] =	ssyncadd.s32 $0xFFFFC000  }
0x69: {  	_ =	swait.ge [sflag:s24], $0x4000  }
0x6a: {  	[sflag:s24] =	ssyncset.done $0x0  }
0x6b: {  	[sflag:s24] =	ssyncadd.s32 $0xFFFFC000  }
0x6c: {  	s31 =	sshrl.u32 s9, $0x3;
	[bflag:$0x0] =	sbarrier.arrive $0xFFFF  }
0x6d: {  	[hbm:s22], [sflag:s16] =	dma.local [spmem:s31], $0x2780  }
0x6e: {  	_ =	swait.ge [sflag:s15], $0x2780  }
0x6f: {  	[sflag:s15] =	ssyncset.done $0x0  }
0x70: {  	[sflag:s15] =	ssyncadd.s32 $0xFFFFD880  }
0x71: {  	[bflag:$0x0] =	sbarrier.arrive $0xFFFF  }
0x72: {  	[spmem:s17], [sflag:s16] =	dma.local [hbm:s4], $0x2780  }
0x73: {  	_ =	swait.ge [sflag:s15], $0x2780  }
0x74: {  	[sflag:s15] =	ssyncset.done $0x0  }
0x75: {  	[sflag:s15] =	ssyncadd.s32 $0xFFFFD880  }
0x76: {  	s5 =	sadd.s32 s6, s10;
	[bflag:$0x0] =	sbarrier.arrive $0xFFFF  }
0x77: {  	[tilespmem:s18], [sflag:$0x1] =	stream.linear.gather [hbm4b:s5+s1], $0x4000, $0x38;
	[tilespmem:$0x1E400] =	vst v63  }
0x78: {  	s5 =	sadd.s32 s8, s10  }
0x79: {  	[tilespmem:s19], [sflag:$0x2] =	stream.linear.gather [hbm4b:s5+s1], $0x4000, $0x38;
	[tilespmem:$0x1E400] =	vst v63  }
0x7a: {  	_ =	swait.ge [sflag:s20], $0x4000  }
0x7b: {  	[sflag:s20] =	ssyncset.done $0x0  }
0x7c: {  	s1 =	simm.s32 $0x0;
	[sflag:s20] =	ssyncadd.s32 $0xFFFFC000  }
0x7d: {  	[spmem:s2] =	stream.indirect.scatter.add.f32 [tilespmem:s18], [sflag:$0x3], $0x80, s1, s21, $0xb8;
	[tilespmem:$0x1E400] =	vst v63  }
0x7e: {  	_ =	swait.ge [sflag:s15], $0x4000  }
0x7f: {  	[sflag:s15] =	ssyncset.done $0x0  }
0x80: {  	s1 =	sadd.s32 s10, s14;
	[sflag:s15] =	ssyncadd.s32 $0xFFFFC000  }
0x81: {  	[tilespmem:s18], [sflag:$0x1] =	stream.linear.gather [hbm4b:s1+s3], $0x4000, $0x38;
	[tilespmem:$0x1E400] =	vst v63  }
0x82: {  	_ =	swait.ge [sflag:s24], $0x4000  }
0x83: {  	[sflag:s24] =	ssyncset.done $0x0  }
0x84: {  	s5 =	simm.s32 $0x80;
	[sflag:s24] =	ssyncadd.s32 $0xFFFFC000  }
0x85: {  	[spmem:s2] =	stream.indirect.scatter.add.f32 [tilespmem:s19], [sflag:$0x3], $0x80, s5, s21, $0xb8;
	[tilespmem:$0x1E400] =	vst v63  }
0x86: {  	_ =	swait.ge [sflag:s15], $0x4000  }
0x87: {  	s0 =	simm.s32 $0x400;
	[sflag:s15] =	ssyncset.done $0x0  }
0x88: {  	s5 =	sadd.s32 $0x800, s1;
	s1 =	sadd.s32 $0x1000, s1;
	[sflag:s15] =	ssyncadd.s32 $0xFFFFC000  }
.LBB2_4:
0x89: {  	[tilespmem:s19], [sflag:$0x2] =	stream.linear.gather [hbm4b:s5+s3], $0x4000, $0x38;
	[tilespmem:$0x1E400] =	vst v63  }
0x8a: {  	s5 =	smov.u32 s0  }
0x8b: {  	p0 =	sne.s32 s0, $0x9400;
	s0 =	sadd.s32 $0x400, s0;
	_ =	swait.ge [sflag:s20], $0x4000  }
0x8c: {  	[sflag:s20] =	ssyncset.done $0x0  }
0x8d: {  	s5 =	sshra.s32 s5, $0x2;
	[sflag:s20] =	ssyncadd.s32 $0xFFFFC000  }
0x8e: {  	[spmem:s2] =	stream.indirect.scatter.add.f32 [tilespmem:s18], [sflag:$0x3], $0x80, s5, s21, $0xb8;
	[tilespmem:$0x1E400] =	vst v63  }
0x8f: {  	_ =	swait.ge [sflag:s15], $0x4000  }
0x90: {  	[sflag:s15] =	ssyncset.done $0x0  }
0x91: {  	[sflag:s15] =	ssyncadd.s32 $0xFFFFC000  }
0x92: {  	[tilespmem:s18], [sflag:$0x1] =	stream.linear.gather [hbm4b:s1+s3], $0x4000, $0x38;
	[tilespmem:$0x1E400] =	vst v63  }
0x93: {  	_ =	swait.ge [sflag:s24], $0x4000  }
0x94: {  	[sflag:s24] =	ssyncset.done $0x0  }
.Ltmp1:
0x95: {  	s5 =	sadd.s32 $0x80, s5;
	[sflag:s24] =	ssyncadd.s32 $0xFFFFC000;
	(pc) =	sbr.rel @p0 .LBB2_4-.Ltmp1, $4  }
0x96: {  	[spmem:s2] =	stream.indirect.scatter.add.f32 [tilespmem:s19], [sflag:$0x3], $0x80, s5, s21, $0xb8;
	[tilespmem:$0x1E400] =	vst v63  }
0x97: {  	_ =	swait.ge [sflag:s15], $0x4000  }
0x98: {  	[sflag:s15] =	ssyncset.done $0x0  }
0x99: {  	s5 =	sadd.s32 $0x800, s1;
	s1 =	sadd.s32 $0x1000, s1;
	[sflag:s15] =	ssyncadd.s32 $0xFFFFC000  }
0x9a: {  	[tilespmem:s19], [sflag:$0x2] =	stream.linear.gather [hbm4b:s5+s3], $0x4000, $0x38;
	[tilespmem:$0x1E400] =	vst v63  }
0x9b: {  	_ =	swait.ge [sflag:s20], $0x4000  }
0x9c: {  	[sflag:s20] =	ssyncset.done $0x0  }
0x9d: {  	[sflag:s20] =	ssyncadd.s32 $0xFFFFC000  }
0x9e: {  	[spmem:s2] =	stream.indirect.scatter.add.f32 [tilespmem:s18], [sflag:$0x3], $0x80, s25, s21, $0xb8;
	[tilespmem:$0x1E400] =	vst v63  }
0x9f: {  	_ =	swait.ge [sflag:s15], $0x4000  }
0xa0: {  	[sflag:s15] =	ssyncset.done $0x0  }
0xa1: {  	s0 =	sadd.s32 s10, s13;
	[sflag:s15] =	ssyncadd.s32 $0xFFFFC000  }
0xa2: {  	[tilespmem:s18], [sflag:$0x1] =	stream.linear.gather [hbm4b:s0+s3], $0x4000, $0x38;
	[tilespmem:$0x1E400] =	vst v63  }
0xa3: {  	_ =	swait.ge [sflag:s24], $0x4000  }
0xa4: {  	[sflag:s24] =	ssyncset.done $0x0  }
0xa5: {  	[sflag:s24] =	ssyncadd.s32 $0xFFFFC000  }
0xa6: {  	[spmem:s2] =	stream.indirect.scatter.add.f32 [tilespmem:s19], [sflag:$0x3], $0x80, s26, s21, $0xb8;
	[tilespmem:$0x1E400] =	vst v63  }
0xa7: {  	_ =	swait.ge [sflag:s15], $0x4000  }
0xa8: {  	[sflag:s15] =	ssyncset.done $0x0  }
0xa9: {  	s5 =	sadd.s32 s10, s12;
	[sflag:s15] =	ssyncadd.s32 $0xFFFFC000  }
0xaa: {  	[tilespmem:s19], [sflag:$0x2] =	stream.linear.gather [hbm4b:s5+s3], $0x4000, $0x38;
	[tilespmem:$0x1E400] =	vst v63  }
0xab: {  	_ =	swait.ge [sflag:s20], $0x4000  }
0xac: {  	[sflag:s20] =	ssyncset.done $0x0  }
0xad: {  	[sflag:s20] =	ssyncadd.s32 $0xFFFFC000  }
0xae: {  	[spmem:s2] =	stream.indirect.scatter.add.f32 [tilespmem:s18], [sflag:$0x3], $0x80, s28, s21, $0xb8;
	[tilespmem:$0x1E400] =	vst v63  }
0xaf: {  	_ =	swait.ge [sflag:s15], $0x4000  }
0xb0: {  	[sflag:s15] =	ssyncset.done $0x0  }
0xb1: {  	[sflag:s15] =	ssyncadd.s32 $0xFFFFC000  }
0xb2: {  	[tilespmem:s18], [sflag:$0x1] =	stream.linear.gather [hbm4b:s5+s3], $0x4000, $0x38;
	[tilespmem:$0x1E400] =	vst v63  }
0xb3: {  	_ =	swait.ge [sflag:s24], $0x4000  }
0xb4: {  	[sflag:s24] =	ssyncset.done $0x0  }
0xb5: {  	[sflag:s24] =	ssyncadd.s32 $0xFFFFC000  }
0xb6: {  	[spmem:s2] =	stream.indirect.scatter.add.f32 [tilespmem:s19], [sflag:$0x3], $0x80, s29, s21, $0xb8;
	[tilespmem:$0x1E400] =	vst v63  }
0xb7: {  	_ =	swait.ge [sflag:s15], $0x4000  }
0xb8: {  	[sflag:s15] =	ssyncset.done $0x0  }
0xb9: {  	[sflag:s15] =	ssyncadd.s32 $0xFFFFC000  }
0xba: {  	[tilespmem:s19], [sflag:$0x2] =	stream.linear.gather [hbm4b:s5+s3], $0x4000, $0x38;
	[tilespmem:$0x1E400] =	vst v63  }
0xbb: {  	_ =	swait.ge [sflag:s20], $0x4000  }
0xbc: {  	[sflag:s20] =	ssyncset.done $0x0  }
0xbd: {  	[sflag:s20] =	ssyncadd.s32 $0xFFFFC000  }
0xbe: {  	_ =	swait.ge [sflag:s24], $0x4000  }
0xbf: {  	[sflag:s24] =	ssyncset.done $0x0  }
0xc0: {  	s30 =	sadd.s32 $0x1, s30;
	[sflag:s24] =	ssyncadd.s32 $0xFFFFC000  }
0xc1: {  	p0 =	sne.s32 s30, s11;
	[bflag:$0x0] =	sbarrier.arrive $0xFFFF  }
0xc2: {  	[hbm:s23], [sflag:s16] =	dma.local [spmem:s31], $0x2780  }
.Ltmp2:
0xc3: {  	_ =	swait.ge [sflag:s15], $0x2780;
	(pc) =	sbr.rel @p0 .LBB2_1-.Ltmp2, $3  }
0xc4: {  	[sflag:s15] =	ssyncset.done $0x0  }
0xc5: {  	[sflag:s15] =	ssyncadd.s32 $0xFFFFD880  }
0xc6: {  	[bflag:$0x0] =	sbarrier.arrive $0xFFFF;
	_ =	sdelay $0x1  }
0xc7: {  	_ =	sfence.sel $0x180000  }
0xc8: {  	[bflag:$0x0] =	sbarrier.arrive $0xFFFF  }
0xc9: {  	_ =	strace $0x90000047  }
0xca: {  	s0 =	stileid.u32;
	[bflag:$0x2] =	sbarrier.arrive $0xFFFF  }
0xcb: {  	p0 =	sne.s32 s0, $0x0;
	s0 =	rddreg [dreg:$0x4]  }
0xcc: {  	s0 =	sadd.s32 @!p0 $0x100000, s0  }
0xcd: {  	[sflag:s0] =	ssyncadd.tile.s32 @!p0 $0x1;
	_ =	shalt  }
.Lfunc_end2:
_tile_overlayer_lowered:
.L_overlay_start_2:
0xce: {  	(tag) =	ssettag $0x2  }
0xcf: {  	s0 =	rddreg [dreg:$0x0];
	s2 =	stileid.u32  }
0xd0: {  	s1 =	rddreg [dreg:$0x1];
	p0 =	sne.s32 s2, $0x0  }
0xd1: {  	s3 =	rddreg [dreg:$0x2];
	[bflag:$0x3] =	sbarrier.arrive $0xFFFF;
	s2 =	simm.s32 @!p0 $0x1C03  }
0xd2: {  	[timem:s3], [sflag:s2] =	dma.local @!p0 [hbm:s0], s1  }
0xd3: {  	s0 =	simm.s32 @!p0 $0x3  }
0xd4: {  	_ =	swait.ge @!p0 [sflag:s0], s1  }
0xd5: {  	s1 =	ssub.s32 @!p0 $0x0, s1;
	[sflag:s0] =	ssyncset.done @!p0 $0x0  }
0xd6: {  	[sflag:s0] =	ssyncadd.s32 @!p0 s1  }
0xd7: {  	[bflag:$0x3] =	sbarrier.arrive $0xFFFF  }
0xd8: {  	_ =	shalt  }

</sc_bundles>
